<compile_context>
chip_gen: v7x
topology: tpu7x:2x2x1
jax: 0.10.2.dev20260603
libtpu: 0.0.44.dev20260713+nightly
codegen_flags: <defaults>
</compile_context>

<pallas_src>
import jax
import jax.numpy as jnp
from jax import lax
from jax.experimental import pallas as pl
from jax.experimental.pallas import tpu as pltpu
from jax.experimental.pallas import tpu_sc as plsc

_NC, _NS = 2, 16
_NW = _NC * _NS

_CP_CHUNK = 336
_CP_NCHUNK = 148
_CP_NBUF = 4
_CP_HALF = 50000
_CP_TAIL = _CP_HALF - _CP_NCHUNK * _CP_CHUNK


def _sc_gather_body(table_hbm, idx_hbm, out_hbm, idx_v, rows_v, sem):
    bpw = idx_v.shape[0]
    wid = lax.axis_index("s") * _NC + lax.axis_index("c")
    base = wid * bpw
    pltpu.sync_copy(idx_hbm.at[pl.ds(base, bpw)], idx_v)
    pltpu.async_copy(table_hbm.at[idx_v], rows_v, sem).wait()
    pltpu.sync_copy(rows_v, out_hbm.at[pl.ds(base, bpw)])


def _sc_copy_body(src_hbm, dst_hbm, buf0, buf1, buf2, buf3,
                  sem_r0, sem_r1, sem_r2, sem_r3,
                  sem_w0, sem_w1, sem_w2, sem_w3):
    core = lax.axis_index("c")
    sid = lax.axis_index("s")
    base = core * _CP_HALF
    bufs = (buf0, buf1, buf2, buf3)
    sems_r = (sem_r0, sem_r1, sem_r2, sem_r3)
    sems_w = (sem_w0, sem_w1, sem_w2, sem_w3)

    def rd(k, p):
        return pltpu.make_async_copy(
            src_hbm.at[pl.ds(base + k * _CP_CHUNK, _CP_CHUNK)], bufs[p],
            sems_r[p])

    def wr(k, p):
        return pltpu.make_async_copy(
            bufs[p], dst_hbm.at[pl.ds(base + k * _CP_CHUNK, _CP_CHUNK)],
            sems_w[p])

    def phased(p, fn):
        for i in range(_CP_NBUF):
            @pl.when(p == i)
            def _(i=i):
                fn(i)

    @pl.when(sid == 0)
    def _():
        for j in range(_CP_NBUF - 1):
            rd(j, j).start()

        def step(k, _):
            def consume(pp):
                rd(k, pp).wait()
                wr(k, pp).start()

            phased(lax.rem(k, _CP_NBUF), consume)

            @pl.when(k + _CP_NBUF - 1 < _CP_NCHUNK)
            def _():
                def prefetch(pp):
                    @pl.when(k >= 1)
                    def _():
                        wr(k - 1, pp).wait()
                    rd(k + _CP_NBUF - 1, pp).start()

                phased(lax.rem(k + _CP_NBUF - 1, _CP_NBUF), prefetch)

            return 0

        lax.fori_loop(0, _CP_NCHUNK, step, 0)
        for k in range(_CP_NCHUNK - _CP_NBUF, _CP_NCHUNK):
            wr(k, k % _CP_NBUF).wait()

        off = base + _CP_NCHUNK * _CP_CHUNK
        tl = pltpu.make_async_copy(
            src_hbm.at[pl.ds(off, _CP_TAIL)],
            buf0.at[pl.ds(0, _CP_TAIL)], sem_r0)
        tl.start()
        tl.wait()
        tw = pltpu.make_async_copy(
            buf0.at[pl.ds(0, _CP_TAIL)],
            dst_hbm.at[pl.ds(off, _CP_TAIL)], sem_w0)
        tw.start()
        tw.wait()


def _mm_body(head_ref, g_ref, wt_ref, bt_ref, wg_ref, bg_ref,
             tok_ref, graph_ref):
    g = g_ref[...]
    t = lax.dot_general(g, wt_ref[...], (((1,), (1,)), ((), ())),
                        preferred_element_type=jnp.float32)
    t = t + bt_ref[...][None, :]
    h = lax.dot_general(g, wg_ref[...], (((1,), (1,)), ((), ())),
                        preferred_element_type=jnp.float32)
    h = h + bg_ref[...][None, :]
    tok_ref[:, 0:1, :] = t[:, None, :]
    tok_ref[:, 1:, :] = head_ref[:, 1:, :]
    graph_ref[...] = h


def _scatter_body(idx_ref, g_ref, cp_ref, out_ref, sem):
    del cp_ref
    n = g_ref.shape[0]

    def row(i):
        return pltpu.make_async_copy(
            g_ref.at[pl.ds(i, 1)],
            out_ref.at[pl.ds(idx_ref[i], 1)],
            sem,
        )

    def fire(i, _):
        row(i).start()
        return 0

    def drain(i, _):
        row(i).wait()
        return 0

    lax.fori_loop(0, n, fire, 0)
    lax.fori_loop(0, n, drain, 0)


def kernel(text, all_user_feature, user_neighbor_index,
           W_text, b_text, W_graph, b_graph):
    B, S, D = text.shape
    M = all_user_feature.shape[0]
    user_index = user_neighbor_index[:, 0]

    bpw = B // _NW
    graph_ini = pl.kernel(
        _sc_gather_body,
        out_type=jax.ShapeDtypeStruct((B, D), jnp.float32),
        mesh=plsc.VectorSubcoreMesh(core_axis_name="c", subcore_axis_name="s"),
        scratch_types=[
            pltpu.VMEM((bpw,), jnp.int32),
            pltpu.VMEM((bpw, D), jnp.float32),
            pltpu.SemaphoreType.DMA,
        ],
    )(all_user_feature, user_index)

    text_out, graph = pl.pallas_call(
        _mm_body,
        grid=(1,),
        in_specs=[
            pl.BlockSpec((B, 8, D), lambda i: (0, 0, 0)),
            pl.BlockSpec((B, D), lambda i: (0, 0)),
            pl.BlockSpec((D, D), lambda i: (0, 0)),
            pl.BlockSpec((D,), lambda i: (0,)),
            pl.BlockSpec((D, D), lambda i: (0, 0)),
            pl.BlockSpec((D,), lambda i: (0,)),
        ],
        out_specs=[
            pl.BlockSpec((B, 8, D), lambda i: (0, 0, 0)),
            pl.BlockSpec((B, D), lambda i: (0, 0)),
        ],
        out_shape=[
            jax.ShapeDtypeStruct((B, S, D), jnp.float32),
            jax.ShapeDtypeStruct((B, D), jnp.float32),
        ],
        input_output_aliases={0: 0},
    )(text, graph_ini, W_text, b_text, W_graph, b_graph)

    auf_copy = pl.kernel(
        _sc_copy_body,
        out_type=jax.ShapeDtypeStruct((M, D), jnp.float32),
        mesh=plsc.VectorSubcoreMesh(core_axis_name="c", subcore_axis_name="s"),
        scratch_types=(
            [pltpu.VMEM_SHARED((_CP_CHUNK, 768), jnp.float32)] * _CP_NBUF
            + [pltpu.SemaphoreType.DMA] * (2 * _CP_NBUF)
        ),
    )(all_user_feature)

    new_auf = pl.pallas_call(
        _scatter_body,
        in_specs=[
            pl.BlockSpec(memory_space=pltpu.SMEM),
            pl.BlockSpec((B, D), lambda: (0, 0)),
            pl.BlockSpec(memory_space=pl.ANY),
        ],
        out_specs=pl.BlockSpec(memory_space=pl.ANY),
        out_shape=jax.ShapeDtypeStruct((M, D), jnp.float32),
        scratch_shapes=[pltpu.SemaphoreType.DMA],
        input_output_aliases={2: 0},
    )(user_index, graph, auf_copy)

    return (text_out, new_auf)

# --- scband reference (transcript-rebuilt; emitter-appended) ---
"""Pipeline reference for scband-interact-layer-29669634080805 (READ-ONLY COPY).

The authoritative reference and input builder live on the scoring server;
editing this copy changes nothing except your own understanding.
"""

import jax, jax.numpy as jnp
import numpy as np

B, S, D, M, K = 256, 201, 768, 100000, 32

def setup_inputs(seed: int = 0) -> dict:
    key = jax.random.key(seed)
    ks = jax.random.split(key, 6)
    text = jax.random.normal(ks[0], (B, S, D), dtype=jnp.float32)
    all_user_feature = jax.random.normal(ks[1], (M, D), dtype=jnp.float32)
    user_neighbor_index = jnp.arange(B * K, dtype=jnp.int32).reshape(B, K)
    W_text = jax.random.normal(ks[2], (D, D), dtype=jnp.float32) * 0.02
    b_text = jnp.zeros((D,), dtype=jnp.float32)
    W_graph = jax.random.normal(ks[3], (D, D), dtype=jnp.float32) * 0.02
    b_graph = jnp.zeros((D,), dtype=jnp.float32)
    return {"text": text, "all_user_feature": all_user_feature, "user_neighbor_index": user_neighbor_index, "W_text": W_text, "b_text": b_text, "W_graph": W_graph, "b_graph": b_graph}

def reference(text, all_user_feature, user_neighbor_index, W_text, b_text, W_graph, b_graph):
    # user_index = first neighbor of each user
    user_index = user_neighbor_index[:, 0]
    # gather current graph features for these users
    graph_ini = jnp.take(all_user_feature, user_index, axis=0)
    # text.split([1, 200], dim=1)
    text_rest = text[:, 1:, :]
    # linear_text applied to graph_ini, replaces first token
    t = graph_ini @ W_text.T + b_text
    text_out = jnp.concatenate([t[:, None, :], text_rest], axis=1)
    # linear_graph applied to graph_ini, scattered back into memory (overwrite)
    graph = graph_ini @ W_graph.T + b_graph
    new_all_user_feature = all_user_feature.at[user_index].set(graph)
    return (text_out, new_all_user_feature)

if __name__ == "__main__":
    import jax
    _d = setup_inputs()
    print(jax.jit(kernel)(*tuple(_d.values())))

</pallas_src>

<mosaic_0001>
#map = affine_map<(d0, d1) -> (0, 0)>
module attributes {stable_mosaic.version = 14 : i64} {
  func.func @_sc_copy_body(%arg0: i32, %arg1: i32, %arg2: memref<100000x768xf32, #tpu.memory_space<hbm>>, %arg3: memref<100000x768xf32, #tpu.memory_space<hbm>>, %arg4: memref<336x768xf32, #tpu.memory_space<vmem_shared>>, %arg5: memref<336x768xf32, #tpu.memory_space<vmem_shared>>, %arg6: memref<336x768xf32, #tpu.memory_space<vmem_shared>>, %arg7: memref<336x768xf32, #tpu.memory_space<vmem_shared>>, %arg8: memref<!tpu.dma_semaphore, #tpu.memory_space<semaphore_mem>>, %arg9: memref<!tpu.dma_semaphore, #tpu.memory_space<semaphore_mem>>, %arg10: memref<!tpu.dma_semaphore, #tpu.memory_space<semaphore_mem>>, %arg11: memref<!tpu.dma_semaphore, #tpu.memory_space<semaphore_mem>>, %arg12: memref<!tpu.dma_semaphore, #tpu.memory_space<semaphore_mem>>, %arg13: memref<!tpu.dma_semaphore, #tpu.memory_space<semaphore_mem>>, %arg14: memref<!tpu.dma_semaphore, #tpu.memory_space<semaphore_mem>>, %arg15: memref<!tpu.dma_semaphore, #tpu.memory_space<semaphore_mem>>) attributes {dimension_semantics = [#tpu.dimension_semantics<core_parallel>, #tpu.dimension_semantics<subcore_parallel>], iteration_bounds = array<i64: 2, 16>, scalar_prefetch = 0 : i64, scratch_operands = 12 : i64, tpu.core_type = #tpu.core_type<sc_vector_subcore>, window_params = [{transform_indices = #map}, {transform_indices = #map}]} {
    %mul3A = arith.constant 50000 : i32
    %mul3A_0 = arith.muli %arg0, %mul3A : i32
    %eq3A = arith.constant 0 : i32
    %eq3A_1 = arith.cmpi eq, %arg1, %eq3A : i32
    %convert_element_type3A = arith.extui %eq3A_1 : i1 to i32
    %cond3A = arith.constant 0 : i32
    %cond3A_2 = arith.cmpi ne, %convert_element_type3A, %cond3A : i32
    scf.if %cond3A_2 {
      %add3A = arith.constant 0 : i32
      %add3A_3 = arith.addi %mul3A_0, %add3A : i32
      %dma_start3A = arith.constant 0 : i32
      %dma_start3A_4 = tpu.memref_slice %arg2[%add3A_3, %dma_start3A] : memref<100000x768xf32, #tpu.memory_space<hbm>> -> memref<336x768xf32, #tpu.memory_space<hbm>>
      tpu.enqueue_dma source(%dma_start3A_4 : memref<336x768xf32, #tpu.memory_space<hbm>>) target(%arg4 : memref<336x768xf32, #tpu.memory_space<vmem_shared>>) target_semaphore(%arg8 : memref<!tpu.dma_semaphore, #tpu.memory_space<semaphore_mem>>)
      %add3A_5 = arith.constant 336 : i32
      %add3A_6 = arith.addi %mul3A_0, %add3A_5 : i32
      %dma_start3A_7 = arith.constant 0 : i32
      %dma_start3A_8 = tpu.memref_slice %arg2[%add3A_6, %dma_start3A_7] : memref<100000x768xf32, #tpu.memory_space<hbm>> -> memref<336x768xf32, #tpu.memory_space<hbm>>
      tpu.enqueue_dma source(%dma_start3A_8 : memref<336x768xf32, #tpu.memory_space<hbm>>) target(%arg5 : memref<336x768xf32, #tpu.memory_space<vmem_shared>>) target_semaphore(%arg9 : memref<!tpu.dma_semaphore, #tpu.memory_space<semaphore_mem>>)
      %add3A_9 = arith.constant 672 : i32
      %add3A_10 = arith.addi %mul3A_0, %add3A_9 : i32
      %dma_start3A_11 = arith.constant 0 : i32
      %dma_start3A_12 = tpu.memref_slice %arg2[%add3A_10, %dma_start3A_11] : memref<100000x768xf32, #tpu.memory_space<hbm>> -> memref<336x768xf32, #tpu.memory_space<hbm>>
      tpu.enqueue_dma source(%dma_start3A_12 : memref<336x768xf32, #tpu.memory_space<hbm>>) target(%arg6 : memref<336x768xf32, #tpu.memory_space<vmem_shared>>) target_semaphore(%arg10 : memref<!tpu.dma_semaphore, #tpu.memory_space<semaphore_mem>>)
      %scan3A = arith.constant 0 : i32
      %scan3A_13 = arith.constant 0 : i32
      %scan3A_14 = arith.constant 148 : i32
      %scan3A_15 = arith.addi %scan3A_13, %scan3A_14 : i32
      %scan3A_16 = arith.constant 1 : i32
      %scan3A_17 = scf.for %scan3A_56 = %scan3A_13 to %scan3A_15 step %scan3A_16 iter_args(%scan3A_57 = %scan3A) -> (i32)  : i32 {
        %rem3A = arith.constant 4 : i32
        %rem3A_58 = arith.remsi %scan3A_56, %rem3A : i32
        %eq3A_59 = arith.constant 0 : i32
        %eq3A_60 = arith.cmpi eq, %rem3A_58, %eq3A_59 : i32
        %convert_element_type3A_61 = arith.extui %eq3A_60 : i1 to i32
        %cond3A_62 = arith.constant 0 : i32
        %cond3A_63 = arith.cmpi ne, %convert_element_type3A_61, %cond3A_62 : i32
        scf.if %cond3A_63 {
          %mul3A_87 = arith.constant 336 : i32
          %mul3A_88 = arith.muli %scan3A_56, %mul3A_87 : i32
          %add3A_89 = arith.addi %mul3A_0, %mul3A_88 : i32
          %dma_wait3A_90 = arith.constant 0 : i32
          %dma_wait3A_91 = tpu.memref_slice %arg2[%add3A_89, %dma_wait3A_90] : memref<100000x768xf32, #tpu.memory_space<hbm>> -> memref<336x768xf32, #tpu.memory_space<hbm>>
          tpu.wait_dma2 semaphore(%arg8 : memref<!tpu.dma_semaphore, #tpu.memory_space<semaphore_mem>>) src(%dma_wait3A_91 : memref<336x768xf32, #tpu.memory_space<hbm>>) dst(%arg4 : memref<336x768xf32, #tpu.memory_space<vmem_shared>>)
          %mul3A_92 = arith.constant 336 : i32
          %mul3A_93 = arith.muli %scan3A_56, %mul3A_92 : i32
          %add3A_94 = arith.addi %mul3A_0, %mul3A_93 : i32
          %dma_start3A_95 = arith.constant 0 : i32
          %dma_start3A_96 = tpu.memref_slice %arg3[%add3A_94, %dma_start3A_95] : memref<100000x768xf32, #tpu.memory_space<hbm>> -> memref<336x768xf32, #tpu.memory_space<hbm>>
          tpu.enqueue_dma source(%arg4 : memref<336x768xf32, #tpu.memory_space<vmem_shared>>) target(%dma_start3A_96 : memref<336x768xf32, #tpu.memory_space<hbm>>) target_semaphore(%arg12 : memref<!tpu.dma_semaphore, #tpu.memory_space<semaphore_mem>>)
        } else {
        }
        %eq3A_64 = arith.constant 1 : i32
        %eq3A_65 = arith.cmpi eq, %rem3A_58, %eq3A_64 : i32
        %convert_element_type3A_66 = arith.extui %eq3A_65 : i1 to i32
        %cond3A_67 = arith.constant 0 : i32
        %cond3A_68 = arith.cmpi ne, %convert_element_type3A_66, %cond3A_67 : i32
        scf.if %cond3A_68 {
          %mul3A_87 = arith.constant 336 : i32
          %mul3A_88 = arith.muli %scan3A_56, %mul3A_87 : i32
          %add3A_89 = arith.addi %mul3A_0, %mul3A_88 : i32
          %dma_wait3A_90 = arith.constant 0 : i32
          %dma_wait3A_91 = tpu.memref_slice %arg2[%add3A_89, %dma_wait3A_90] : memref<100000x768xf32, #tpu.memory_space<hbm>> -> memref<336x768xf32, #tpu.memory_space<hbm>>
          tpu.wait_dma2 semaphore(%arg9 : memref<!tpu.dma_semaphore, #tpu.memory_space<semaphore_mem>>) src(%dma_wait3A_91 : memref<336x768xf32, #tpu.memory_space<hbm>>) dst(%arg5 : memref<336x768xf32, #tpu.memory_space<vmem_shared>>)
          %mul3A_92 = arith.constant 336 : i32
          %mul3A_93 = arith.muli %scan3A_56, %mul3A_92 : i32
          %add3A_94 = arith.addi %mul3A_0, %mul3A_93 : i32
          %dma_start3A_95 = arith.constant 0 : i32
          %dma_start3A_96 = tpu.memref_slice %arg3[%add3A_94, %dma_start3A_95] : memref<100000x768xf32, #tpu.memory_space<hbm>> -> memref<336x768xf32, #tpu.memory_space<hbm>>
          tpu.enqueue_dma source(%arg5 : memref<336x768xf32, #tpu.memory_space<vmem_shared>>) target(%dma_start3A_96 : memref<336x768xf32, #tpu.memory_space<hbm>>) target_semaphore(%arg13 : memref<!tpu.dma_semaphore, #tpu.memory_space<semaphore_mem>>)
        } else {
        }
        %eq3A_69 = arith.constant 2 : i32
        %eq3A_70 = arith.cmpi eq, %rem3A_58, %eq3A_69 : i32
        %convert_element_type3A_71 = arith.extui %eq3A_70 : i1 to i32
        %cond3A_72 = arith.constant 0 : i32
        %cond3A_73 = arith.cmpi ne, %convert_element_type3A_71, %cond3A_72 : i32
        scf.if %cond3A_73 {
          %mul3A_87 = arith.constant 336 : i32
          %mul3A_88 = arith.muli %scan3A_56, %mul3A_87 : i32
          %add3A_89 = arith.addi %mul3A_0, %mul3A_88 : i32
          %dma_wait3A_90 = arith.constant 0 : i32
          %dma_wait3A_91 = tpu.memref_slice %arg2[%add3A_89, %dma_wait3A_90] : memref<100000x768xf32, #tpu.memory_space<hbm>> -> memref<336x768xf32, #tpu.memory_space<hbm>>
          tpu.wait_dma2 semaphore(%arg10 : memref<!tpu.dma_semaphore, #tpu.memory_space<semaphore_mem>>) src(%dma_wait3A_91 : memref<336x768xf32, #tpu.memory_space<hbm>>) dst(%arg6 : memref<336x768xf32, #tpu.memory_space<vmem_shared>>)
          %mul3A_92 = arith.constant 336 : i32
          %mul3A_93 = arith.muli %scan3A_56, %mul3A_92 : i32
          %add3A_94 = arith.addi %mul3A_0, %mul3A_93 : i32
          %dma_start3A_95 = arith.constant 0 : i32
          %dma_start3A_96 = tpu.memref_slice %arg3[%add3A_94, %dma_start3A_95] : memref<100000x768xf32, #tpu.memory_space<hbm>> -> memref<336x768xf32, #tpu.memory_space<hbm>>
          tpu.enqueue_dma source(%arg6 : memref<336x768xf32, #tpu.memory_space<vmem_shared>>) target(%dma_start3A_96 : memref<336x768xf32, #tpu.memory_space<hbm>>) target_semaphore(%arg14 : memref<!tpu.dma_semaphore, #tpu.memory_space<semaphore_mem>>)
        } else {
        }
        %eq3A_74 = arith.constant 3 : i32
        %eq3A_75 = arith.cmpi eq, %rem3A_58, %eq3A_74 : i32
        %convert_element_type3A_76 = arith.extui %eq3A_75 : i1 to i32
        %cond3A_77 = arith.constant 0 : i32
        %cond3A_78 = arith.cmpi ne, %convert_element_type3A_76, %cond3A_77 : i32
        scf.if %cond3A_78 {
          %mul3A_87 = arith.constant 336 : i32
          %mul3A_88 = arith.muli %scan3A_56, %mul3A_87 : i32
          %add3A_89 = arith.addi %mul3A_0, %mul3A_88 : i32
          %dma_wait3A_90 = arith.constant 0 : i32
          %dma_wait3A_91 = tpu.memref_slice %arg2[%add3A_89, %dma_wait3A_90] : memref<100000x768xf32, #tpu.memory_space<hbm>> -> memref<336x768xf32, #tpu.memory_space<hbm>>
          tpu.wait_dma2 semaphore(%arg11 : memref<!tpu.dma_semaphore, #tpu.memory_space<semaphore_mem>>) src(%dma_wait3A_91 : memref<336x768xf32, #tpu.memory_space<hbm>>) dst(%arg7 : memref<336x768xf32, #tpu.memory_space<vmem_shared>>)
          %mul3A_92 = arith.constant 336 : i32
          %mul3A_93 = arith.muli %scan3A_56, %mul3A_92 : i32
          %add3A_94 = arith.addi %mul3A_0, %mul3A_93 : i32
          %dma_start3A_95 = arith.constant 0 : i32
          %dma_start3A_96 = tpu.memref_slice %arg3[%add3A_94, %dma_start3A_95] : memref<100000x768xf32, #tpu.memory_space<hbm>> -> memref<336x768xf32, #tpu.memory_space<hbm>>
          tpu.enqueue_dma source(%arg7 : memref<336x768xf32, #tpu.memory_space<vmem_shared>>) target(%dma_start3A_96 : memref<336x768xf32, #tpu.memory_space<hbm>>) target_semaphore(%arg15 : memref<!tpu.dma_semaphore, #tpu.memory_space<semaphore_mem>>)
        } else {
        }
        %add3A_79 = arith.constant 4 : i32
        %add3A_80 = arith.addi %scan3A_56, %add3A_79 : i32
        %sub3A = arith.constant 1 : i32
        %sub3A_81 = arith.subi %add3A_80, %sub3A : i32
        %lt3A = arith.constant 148 : i32
        %lt3A_82 = arith.cmpi slt, %sub3A_81, %lt3A : i32
        %convert_element_type3A_83 = arith.extui %lt3A_82 : i1 to i32
        %cond3A_84 = arith.constant 0 : i32
        %cond3A_85 = arith.cmpi ne, %convert_element_type3A_83, %cond3A_84 : i32
        scf.if %cond3A_85 {
          %add3A_87 = arith.constant 4 : i32
          %add3A_88 = arith.addi %scan3A_56, %add3A_87 : i32
          %sub3A_89 = arith.constant 1 : i32
          %sub3A_90 = arith.subi %add3A_88, %sub3A_89 : i32
          %rem3A_91 = arith.constant 4 : i32
          %rem3A_92 = arith.remsi %sub3A_90, %rem3A_91 : i32
          %eq3A_93 = arith.constant 0 : i32
          %eq3A_94 = arith.cmpi eq, %rem3A_92, %eq3A_93 : i32
          %convert_element_type3A_95 = arith.extui %eq3A_94 : i1 to i32
          %cond3A_96 = arith.constant 0 : i32
          %cond3A_97 = arith.cmpi ne, %convert_element_type3A_95, %cond3A_96 : i32
          scf.if %cond3A_97 {
            %ge3A = arith.constant 1 : i32
            %ge3A_113 = arith.cmpi sge, %scan3A_56, %ge3A : i32
            %convert_element_type3A_114 = arith.extui %ge3A_113 : i1 to i32
            %cond3A_115 = arith.constant 0 : i32
            %cond3A_116 = arith.cmpi ne, %convert_element_type3A_114, %cond3A_115 : i32
            scf.if %cond3A_116 {
              %sub3A_126 = arith.constant 1 : i32
              %sub3A_127 = arith.subi %scan3A_56, %sub3A_126 : i32
              %mul3A_128 = arith.constant 336 : i32
              %mul3A_129 = arith.muli %sub3A_127, %mul3A_128 : i32
              %add3A_130 = arith.addi %mul3A_0, %mul3A_129 : i32
              %dma_wait3A_131 = arith.constant 0 : i32
              %dma_wait3A_132 = tpu.memref_slice %arg3[%add3A_130, %dma_wait3A_131] : memref<100000x768xf32, #tpu.memory_space<hbm>> -> memref<336x768xf32, #tpu.memory_space<hbm>>
              tpu.wait_dma2 semaphore(%arg12 : memref<!tpu.dma_semaphore, #tpu.memory_space<semaphore_mem>>) src(%arg4 : memref<336x768xf32, #tpu.memory_space<vmem_shared>>) dst(%dma_wait3A_132 : memref<336x768xf32, #tpu.memory_space<hbm>>)
            } else {
            }
            %add3A_117 = arith.constant 4 : i32
            %add3A_118 = arith.addi %scan3A_56, %add3A_117 : i32
            %sub3A_119 = arith.constant 1 : i32
            %sub3A_120 = arith.subi %add3A_118, %sub3A_119 : i32
            %mul3A_121 = arith.constant 336 : i32
            %mul3A_122 = arith.muli %sub3A_120, %mul3A_121 : i32
            %add3A_123 = arith.addi %mul3A_0, %mul3A_122 : i32
            %dma_start3A_124 = arith.constant 0 : i32
            %dma_start3A_125 = tpu.memref_slice %arg2[%add3A_123, %dma_start3A_124] : memref<100000x768xf32, #tpu.memory_space<hbm>> -> memref<336x768xf32, #tpu.memory_space<hbm>>
            tpu.enqueue_dma source(%dma_start3A_125 : memref<336x768xf32, #tpu.memory_space<hbm>>) target(%arg4 : memref<336x768xf32, #tpu.memory_space<vmem_shared>>) target_semaphore(%arg8 : memref<!tpu.dma_semaphore, #tpu.memory_space<semaphore_mem>>)
          } else {
          }
          %eq3A_98 = arith.constant 1 : i32
          %eq3A_99 = arith.cmpi eq, %rem3A_92, %eq3A_98 : i32
          %convert_element_type3A_100 = arith.extui %eq3A_99 : i1 to i32
          %cond3A_101 = arith.constant 0 : i32
          %cond3A_102 = arith.cmpi ne, %convert_element_type3A_100, %cond3A_101 : i32
          scf.if %cond3A_102 {
            %ge3A = arith.constant 1 : i32
            %ge3A_113 = arith.cmpi sge, %scan3A_56, %ge3A : i32
            %convert_element_type3A_114 = arith.extui %ge3A_113 : i1 to i32
            %cond3A_115 = arith.constant 0 : i32
            %cond3A_116 = arith.cmpi ne, %convert_element_type3A_114, %cond3A_115 : i32
            scf.if %cond3A_116 {
              %sub3A_126 = arith.constant 1 : i32
              %sub3A_127 = arith.subi %scan3A_56, %sub3A_126 : i32
              %mul3A_128 = arith.constant 336 : i32
              %mul3A_129 = arith.muli %sub3A_127, %mul3A_128 : i32
              %add3A_130 = arith.addi %mul3A_0, %mul3A_129 : i32
              %dma_wait3A_131 = arith.constant 0 : i32
              %dma_wait3A_132 = tpu.memref_slice %arg3[%add3A_130, %dma_wait3A_131] : memref<100000x768xf32, #tpu.memory_space<hbm>> -> memref<336x768xf32, #tpu.memory_space<hbm>>
              tpu.wait_dma2 semaphore(%arg13 : memref<!tpu.dma_semaphore, #tpu.memory_space<semaphore_mem>>) src(%arg5 : memref<336x768xf32, #tpu.memory_space<vmem_shared>>) dst(%dma_wait3A_132 : memref<336x768xf32, #tpu.memory_space<hbm>>)
            } else {
            }
            %add3A_117 = arith.constant 4 : i32
            %add3A_118 = arith.addi %scan3A_56, %add3A_117 : i32
            %sub3A_119 = arith.constant 1 : i32
            %sub3A_120 = arith.subi %add3A_118, %sub3A_119 : i32
            %mul3A_121 = arith.constant 336 : i32
            %mul3A_122 = arith.muli %sub3A_120, %mul3A_121 : i32
            %add3A_123 = arith.addi %mul3A_0, %mul3A_122 : i32
            %dma_start3A_124 = arith.constant 0 : i32
            %dma_start3A_125 = tpu.memref_slice %arg2[%add3A_123, %dma_start3A_124] : memref<100000x768xf32, #tpu.memory_space<hbm>> -> memref<336x768xf32, #tpu.memory_space<hbm>>
            tpu.enqueue_dma source(%dma_start3A_125 : memref<336x768xf32, #tpu.memory_space<hbm>>) target(%arg5 : memref<336x768xf32, #tpu.memory_space<vmem_shared>>) target_semaphore(%arg9 : memref<!tpu.dma_semaphore, #tpu.memory_space<semaphore_mem>>)
          } else {
          }
          %eq3A_103 = arith.constant 2 : i32
          %eq3A_104 = arith.cmpi eq, %rem3A_92, %eq3A_103 : i32
          %convert_element_type3A_105 = arith.extui %eq3A_104 : i1 to i32
          %cond3A_106 = arith.constant 0 : i32
          %cond3A_107 = arith.cmpi ne, %convert_element_type3A_105, %cond3A_106 : i32
          scf.if %cond3A_107 {
            %ge3A = arith.constant 1 : i32
            %ge3A_113 = arith.cmpi sge, %scan3A_56, %ge3A : i32
            %convert_element_type3A_114 = arith.extui %ge3A_113 : i1 to i32
            %cond3A_115 = arith.constant 0 : i32
            %cond3A_116 = arith.cmpi ne, %convert_element_type3A_114, %cond3A_115 : i32
            scf.if %cond3A_116 {
              %sub3A_126 = arith.constant 1 : i32
              %sub3A_127 = arith.subi %scan3A_56, %sub3A_126 : i32
              %mul3A_128 = arith.constant 336 : i32
              %mul3A_129 = arith.muli %sub3A_127, %mul3A_128 : i32
              %add3A_130 = arith.addi %mul3A_0, %mul3A_129 : i32
              %dma_wait3A_131 = arith.constant 0 : i32
              %dma_wait3A_132 = tpu.memref_slice %arg3[%add3A_130, %dma_wait3A_131] : memref<100000x768xf32, #tpu.memory_space<hbm>> -> memref<336x768xf32, #tpu.memory_space<hbm>>
              tpu.wait_dma2 semaphore(%arg14 : memref<!tpu.dma_semaphore, #tpu.memory_space<semaphore_mem>>) src(%arg6 : memref<336x768xf32, #tpu.memory_space<vmem_shared>>) dst(%dma_wait3A_132 : memref<336x768xf32, #tpu.memory_space<hbm>>)
            } else {
            }
            %add3A_117 = arith.constant 4 : i32
            %add3A_118 = arith.addi %scan3A_56, %add3A_117 : i32
            %sub3A_119 = arith.constant 1 : i32
            %sub3A_120 = arith.subi %add3A_118, %sub3A_119 : i32
            %mul3A_121 = arith.constant 336 : i32
            %mul3A_122 = arith.muli %sub3A_120, %mul3A_121 : i32
            %add3A_123 = arith.addi %mul3A_0, %mul3A_122 : i32
            %dma_start3A_124 = arith.constant 0 : i32
            %dma_start3A_125 = tpu.memref_slice %arg2[%add3A_123, %dma_start3A_124] : memref<100000x768xf32, #tpu.memory_space<hbm>> -> memref<336x768xf32, #tpu.memory_space<hbm>>
            tpu.enqueue_dma source(%dma_start3A_125 : memref<336x768xf32, #tpu.memory_space<hbm>>) target(%arg6 : memref<336x768xf32, #tpu.memory_space<vmem_shared>>) target_semaphore(%arg10 : memref<!tpu.dma_semaphore, #tpu.memory_space<semaphore_mem>>)
          } else {
          }
          %eq3A_108 = arith.constant 3 : i32
          %eq3A_109 = arith.cmpi eq, %rem3A_92, %eq3A_108 : i32
          %convert_element_type3A_110 = arith.extui %eq3A_109 : i1 to i32
          %cond3A_111 = arith.constant 0 : i32
          %cond3A_112 = arith.cmpi ne, %convert_element_type3A_110, %cond3A_111 : i32
          scf.if %cond3A_112 {
            %ge3A = arith.constant 1 : i32
            %ge3A_113 = arith.cmpi sge, %scan3A_56, %ge3A : i32
            %convert_element_type3A_114 = arith.extui %ge3A_113 : i1 to i32
            %cond3A_115 = arith.constant 0 : i32
            %cond3A_116 = arith.cmpi ne, %convert_element_type3A_114, %cond3A_115 : i32
            scf.if %cond3A_116 {
              %sub3A_126 = arith.constant 1 : i32
              %sub3A_127 = arith.subi %scan3A_56, %sub3A_126 : i32
              %mul3A_128 = arith.constant 336 : i32
              %mul3A_129 = arith.muli %sub3A_127, %mul3A_128 : i32
              %add3A_130 = arith.addi %mul3A_0, %mul3A_129 : i32
              %dma_wait3A_131 = arith.constant 0 : i32
              %dma_wait3A_132 = tpu.memref_slice %arg3[%add3A_130, %dma_wait3A_131] : memref<100000x768xf32, #tpu.memory_space<hbm>> -> memref<336x768xf32, #tpu.memory_space<hbm>>
              tpu.wait_dma2 semaphore(%arg15 : memref<!tpu.dma_semaphore, #tpu.memory_space<semaphore_mem>>) src(%arg7 : memref<336x768xf32, #tpu.memory_space<vmem_shared>>) dst(%dma_wait3A_132 : memref<336x768xf32, #tpu.memory_space<hbm>>)
            } else {
            }
            %add3A_117 = arith.constant 4 : i32
            %add3A_118 = arith.addi %scan3A_56, %add3A_117 : i32
            %sub3A_119 = arith.constant 1 : i32
            %sub3A_120 = arith.subi %add3A_118, %sub3A_119 : i32
            %mul3A_121 = arith.constant 336 : i32
            %mul3A_122 = arith.muli %sub3A_120, %mul3A_121 : i32
            %add3A_123 = arith.addi %mul3A_0, %mul3A_122 : i32
            %dma_start3A_124 = arith.constant 0 : i32
            %dma_start3A_125 = tpu.memref_slice %arg2[%add3A_123, %dma_start3A_124] : memref<100000x768xf32, #tpu.memory_space<hbm>> -> memref<336x768xf32, #tpu.memory_space<hbm>>
            tpu.enqueue_dma source(%dma_start3A_125 : memref<336x768xf32, #tpu.memory_space<hbm>>) target(%arg7 : memref<336x768xf32, #tpu.memory_space<vmem_shared>>) target_semaphore(%arg11 : memref<!tpu.dma_semaphore, #tpu.memory_space<semaphore_mem>>)
          } else {
          }
        } else {
        }
        %scan3A_86 = arith.constant 0 : i32
        scf.yield %scan3A_86 : i32
      }
      %scan3A_18 = arith.constant 148 : i32
      %add3A_19 = arith.constant 48384 : i32
      %add3A_20 = arith.addi %mul3A_0, %add3A_19 : i32
      %dma_wait3A = arith.constant 0 : i32
      %dma_wait3A_21 = tpu.memref_slice %arg3[%add3A_20, %dma_wait3A] : memref<100000x768xf32, #tpu.memory_space<hbm>> -> memref<336x768xf32, #tpu.memory_space<hbm>>
      tpu.wait_dma2 semaphore(%arg12 : memref<!tpu.dma_semaphore, #tpu.memory_space<semaphore_mem>>) src(%arg4 : memref<336x768xf32, #tpu.memory_space<vmem_shared>>) dst(%dma_wait3A_21 : memref<336x768xf32, #tpu.memory_space<hbm>>)
      %add3A_22 = arith.constant 48720 : i32
      %add3A_23 = arith.addi %mul3A_0, %add3A_22 : i32
      %dma_wait3A_24 = arith.constant 0 : i32
      %dma_wait3A_25 = tpu.memref_slice %arg3[%add3A_23, %dma_wait3A_24] : memref<100000x768xf32, #tpu.memory_space<hbm>> -> memref<336x768xf32, #tpu.memory_space<hbm>>
      tpu.wait_dma2 semaphore(%arg13 : memref<!tpu.dma_semaphore, #tpu.memory_space<semaphore_mem>>) src(%arg5 : memref<336x768xf32, #tpu.memory_space<vmem_shared>>) dst(%dma_wait3A_25 : memref<336x768xf32, #tpu.memory_space<hbm>>)
      %add3A_26 = arith.constant 49056 : i32
      %add3A_27 = arith.addi %mul3A_0, %add3A_26 : i32
      %dma_wait3A_28 = arith.constant 0 : i32
      %dma_wait3A_29 = tpu.memref_slice %arg3[%add3A_27, %dma_wait3A_28] : memref<100000x768xf32, #tpu.memory_space<hbm>> -> memref<336x768xf32, #tpu.memory_space<hbm>>
      tpu.wait_dma2 semaphore(%arg14 : memref<!tpu.dma_semaphore, #tpu.memory_space<semaphore_mem>>) src(%arg6 : memref<336x768xf32, #tpu.memory_space<vmem_shared>>) dst(%dma_wait3A_29 : memref<336x768xf32, #tpu.memory_space<hbm>>)
      %add3A_30 = arith.constant 49392 : i32
      %add3A_31 = arith.addi %mul3A_0, %add3A_30 : i32
      %dma_wait3A_32 = arith.constant 0 : i32
      %dma_wait3A_33 = tpu.memref_slice %arg3[%add3A_31, %dma_wait3A_32] : memref<100000x768xf32, #tpu.memory_space<hbm>> -> memref<336x768xf32, #tpu.memory_space<hbm>>
      tpu.wait_dma2 semaphore(%arg15 : memref<!tpu.dma_semaphore, #tpu.memory_space<semaphore_mem>>) src(%arg7 : memref<336x768xf32, #tpu.memory_space<vmem_shared>>) dst(%dma_wait3A_33 : memref<336x768xf32, #tpu.memory_space<hbm>>)
      %add3A_34 = arith.constant 49728 : i32
      %add3A_35 = arith.addi %mul3A_0, %add3A_34 : i32
      %dma_start3A_36 = arith.constant 0 : i32
      %dma_start3A_37 = arith.constant 0 : i32
      %dma_start3A_38 = tpu.memref_slice %arg4[%dma_start3A_36, %dma_start3A_37] : memref<336x768xf32, #tpu.memory_space<vmem_shared>> -> memref<272x768xf32, #tpu.memory_space<vmem_shared>>
      %dma_start3A_39 = arith.constant 0 : i32
      %dma_start3A_40 = tpu.memref_slice %arg2[%add3A_35, %dma_start3A_39] : memref<100000x768xf32, #tpu.memory_space<hbm>> -> memref<272x768xf32, #tpu.memory_space<hbm>>
      tpu.enqueue_dma source(%dma_start3A_40 : memref<272x768xf32, #tpu.memory_space<hbm>>) target(%dma_start3A_38 : memref<272x768xf32, #tpu.memory_space<vmem_shared>>) target_semaphore(%arg8 : memref<!tpu.dma_semaphore, #tpu.memory_space<semaphore_mem>>)
      %dma_wait3A_41 = arith.constant 0 : i32
      %dma_wait3A_42 = arith.constant 0 : i32
      %dma_wait3A_43 = tpu.memref_slice %arg4[%dma_wait3A_41, %dma_wait3A_42] : memref<336x768xf32, #tpu.memory_space<vmem_shared>> -> memref<272x768xf32, #tpu.memory_space<vmem_shared>>
      %dma_wait3A_44 = arith.constant 0 : i32
      %dma_wait3A_45 = tpu.memref_slice %arg2[%add3A_35, %dma_wait3A_44] : memref<100000x768xf32, #tpu.memory_space<hbm>> -> memref<272x768xf32, #tpu.memory_space<hbm>>
      tpu.wait_dma2 semaphore(%arg8 : memref<!tpu.dma_semaphore, #tpu.memory_space<semaphore_mem>>) src(%dma_wait3A_45 : memref<272x768xf32, #tpu.memory_space<hbm>>) dst(%dma_wait3A_43 : memref<272x768xf32, #tpu.memory_space<vmem_shared>>)
      %dma_start3A_46 = arith.constant 0 : i32
      %dma_start3A_47 = tpu.memref_slice %arg3[%add3A_35, %dma_start3A_46] : memref<100000x768xf32, #tpu.memory_space<hbm>> -> memref<272x768xf32, #tpu.memory_space<hbm>>
      %dma_start3A_48 = arith.constant 0 : i32
      %dma_start3A_49 = arith.constant 0 : i32
      %dma_start3A_50 = tpu.memref_slice %arg4[%dma_start3A_48, %dma_start3A_49] : memref<336x768xf32, #tpu.memory_space<vmem_shared>> -> memref<272x768xf32, #tpu.memory_space<vmem_shared>>
      tpu.enqueue_dma source(%dma_start3A_50 : memref<272x768xf32, #tpu.memory_space<vmem_shared>>) target(%dma_start3A_47 : memref<272x768xf32, #tpu.memory_space<hbm>>) target_semaphore(%arg12 : memref<!tpu.dma_semaphore, #tpu.memory_space<semaphore_mem>>)
      %dma_wait3A_51 = arith.constant 0 : i32
      %dma_wait3A_52 = tpu.memref_slice %arg3[%add3A_35, %dma_wait3A_51] : memref<100000x768xf32, #tpu.memory_space<hbm>> -> memref<272x768xf32, #tpu.memory_space<hbm>>
      %dma_wait3A_53 = arith.constant 0 : i32
      %dma_wait3A_54 = arith.constant 0 : i32
      %dma_wait3A_55 = tpu.memref_slice %arg4[%dma_wait3A_53, %dma_wait3A_54] : memref<336x768xf32, #tpu.memory_space<vmem_shared>> -> memref<272x768xf32, #tpu.memory_space<vmem_shared>>
      tpu.wait_dma2 semaphore(%arg12 : memref<!tpu.dma_semaphore, #tpu.memory_space<semaphore_mem>>) src(%dma_wait3A_55 : memref<272x768xf32, #tpu.memory_space<vmem_shared>>) dst(%dma_wait3A_52 : memref<272x768xf32, #tpu.memory_space<hbm>>)
    } else {
    }
    return
  }
}

#map = affine_map<(d0, d1) -> (0, 0)>
#map1 = affine_map<(d0, d1) -> (0)>
module attributes {stable_mosaic.version = 14 : i64} {
  func.func @_sc_gather_body(%arg0: i32, %arg1: i32, %arg2: memref<100000x768xf32, #tpu.memory_space<hbm>>, %arg3: memref<256xi32, #tpu.memory_space<hbm>>, %arg4: memref<256x768xf32, #tpu.memory_space<hbm>>, %arg5: memref<8xi32, #tpu.memory_space<vmem>>, %arg6: memref<8x768xf32, #tpu.memory_space<vmem>>, %arg7: memref<!tpu.dma_semaphore, #tpu.memory_space<semaphore_mem>>) attributes {dimension_semantics = [#tpu.dimension_semantics<core_parallel>, #tpu.dimension_semantics<subcore_parallel>], iteration_bounds = array<i64: 2, 16>, scalar_prefetch = 0 : i64, scratch_operands = 3 : i64, tpu.core_type = #tpu.core_type<sc_vector_subcore>, window_params = [{transform_indices = #map}, {transform_indices = #map1}, {transform_indices = #map}]} {
    %mul3A = arith.constant 2 : i32
    %mul3A_0 = arith.muli %arg1, %mul3A : i32
    %add3A = arith.addi %mul3A_0, %arg0 : i32
    %mul3A_1 = arith.constant 8 : i32
    %mul3A_2 = arith.muli %add3A, %mul3A_1 : i32
    "tpu.region"() ({
      %run_scoped3A = tpu.sem_alloc : memref<!tpu.dma_semaphore, #tpu.memory_space<semaphore_mem>>
      %dma_start3A_7 = tpu.memref_slice %arg3[%mul3A_2] : memref<256xi32, #tpu.memory_space<hbm>> -> memref<8xi32, #tpu.memory_space<hbm>>
      %dma_start3A_8 = tpu.memref_slice %arg3[%mul3A_2] : memref<256xi32, #tpu.memory_space<hbm>> -> memref<8xi32, #tpu.memory_space<hbm>>
      tpu.enqueue_dma source(%dma_start3A_8 : memref<8xi32, #tpu.memory_space<hbm>>) target(%arg5 : memref<8xi32, #tpu.memory_space<vmem>>) target_semaphore(%run_scoped3A : memref<!tpu.dma_semaphore, #tpu.memory_space<semaphore_mem>>)
      %dma_wait3A_9 = tpu.memref_slice %arg3[%mul3A_2] : memref<256xi32, #tpu.memory_space<hbm>> -> memref<8xi32, #tpu.memory_space<hbm>>
      %dma_wait3A_10 = tpu.memref_slice %arg3[%mul3A_2] : memref<256xi32, #tpu.memory_space<hbm>> -> memref<8xi32, #tpu.memory_space<hbm>>
      tpu.wait_dma2 semaphore(%run_scoped3A : memref<!tpu.dma_semaphore, #tpu.memory_space<semaphore_mem>>) src(%dma_wait3A_10 : memref<8xi32, #tpu.memory_space<hbm>>) dst(%arg5 : memref<8xi32, #tpu.memory_space<vmem>>)
      tpu.yield
    }) : () -> ()
    %dma_start3A = arith.constant 0 : i32
    %dma_start3A_3 = arith.constant 0 : i32
    %dma_start3A_4 = tpu.memref_slice %arg2[%dma_start3A, %dma_start3A_3] : memref<100000x768xf32, #tpu.memory_space<hbm>> -> memref<100000x768xf32, #tpu.memory_space<hbm>>
    tpu.enqueue_indirect_dma source(%dma_start3A_4 : memref<100000x768xf32, #tpu.memory_space<hbm>>) target(%arg6 : memref<8x768xf32, #tpu.memory_space<vmem>>) offsets(%arg5 : memref<8xi32, #tpu.memory_space<vmem>>) semaphore(%arg7 : memref<!tpu.dma_semaphore, #tpu.memory_space<semaphore_mem>>)
    %dma_wait3A = arith.constant 0 : i32
    %dma_wait3A_5 = arith.constant 0 : i32
    %dma_wait3A_6 = tpu.memref_slice %arg2[%dma_wait3A, %dma_wait3A_5] : memref<100000x768xf32, #tpu.memory_space<hbm>> -> memref<100000x768xf32, #tpu.memory_space<hbm>>
    tpu.wait_indirect_dma semaphore(%arg7 : memref<!tpu.dma_semaphore, #tpu.memory_space<semaphore_mem>>) src(%dma_wait3A_6 : memref<100000x768xf32, #tpu.memory_space<hbm>>) dst(%arg6 : memref<8x768xf32, #tpu.memory_space<vmem>>)
    "tpu.region"() ({
      %run_scoped3A = tpu.sem_alloc : memref<!tpu.dma_semaphore, #tpu.memory_space<semaphore_mem>>
      %dma_start3A_7 = arith.constant 0 : i32
      %dma_start3A_8 = tpu.memref_slice %arg4[%mul3A_2, %dma_start3A_7] : memref<256x768xf32, #tpu.memory_space<hbm>> -> memref<8x768xf32, #tpu.memory_space<hbm>>
      %dma_start3A_9 = arith.constant 0 : i32
      %dma_start3A_10 = tpu.memref_slice %arg4[%mul3A_2, %dma_start3A_9] : memref<256x768xf32, #tpu.memory_space<hbm>> -> memref<8x768xf32, #tpu.memory_space<hbm>>
      tpu.enqueue_dma source(%arg6 : memref<8x768xf32, #tpu.memory_space<vmem>>) target(%dma_start3A_10 : memref<8x768xf32, #tpu.memory_space<hbm>>) target_semaphore(%run_scoped3A : memref<!tpu.dma_semaphore, #tpu.memory_space<semaphore_mem>>)
      %dma_wait3A_11 = arith.constant 0 : i32
      %dma_wait3A_12 = tpu.memref_slice %arg4[%mul3A_2, %dma_wait3A_11] : memref<256x768xf32, #tpu.memory_space<hbm>> -> memref<8x768xf32, #tpu.memory_space<hbm>>
      %dma_wait3A_13 = arith.constant 0 : i32
      %dma_wait3A_14 = tpu.memref_slice %arg4[%mul3A_2, %dma_wait3A_13] : memref<256x768xf32, #tpu.memory_space<hbm>> -> memref<8x768xf32, #tpu.memory_space<hbm>>
      tpu.wait_dma2 semaphore(%run_scoped3A : memref<!tpu.dma_semaphore, #tpu.memory_space<semaphore_mem>>) src(%arg6 : memref<8x768xf32, #tpu.memory_space<vmem>>) dst(%dma_wait3A_14 : memref<8x768xf32, #tpu.memory_space<hbm>>)
      tpu.yield
    }) : () -> ()
    return
  }
}

module attributes {stable_mosaic.version = 14 : i64} {
  func.func @_mm_body(%arg0: i32, %arg1: memref<256x8x768xf32, #tpu.memory_space<vmem>>, %arg2: memref<256x768xf32, #tpu.memory_space<vmem>>, %arg3: memref<768x768xf32, #tpu.memory_space<vmem>>, %arg4: memref<768xf32, #tpu.memory_space<vmem>>, %arg5: memref<768x768xf32, #tpu.memory_space<vmem>>, %arg6: memref<768xf32, #tpu.memory_space<vmem>>, %arg7: memref<256x8x768xf32, #tpu.memory_space<vmem>>, %arg8: memref<256x768xf32, #tpu.memory_space<vmem>>) attributes {dimension_semantics = [#tpu.dimension_semantics<arbitrary>], iteration_bounds = array<i64: 1>, scalar_prefetch = 0 : i64, scratch_operands = 0 : i64, tpu.core_type = #tpu.core_type<tc>, window_params = [{transform_indices = @transform_0, window_bounds = array<i64: 256, 8, 768>}, {pipeline_mode = #tpu.pipeline_mode<synchronous>, transform_indices = @transform_1, window_bounds = array<i64: 256, 768>}, {pipeline_mode = #tpu.pipeline_mode<synchronous>, transform_indices = @transform_2, window_bounds = array<i64: 768, 768>}, {pipeline_mode = #tpu.pipeline_mode<synchronous>, transform_indices = @transform_3, window_bounds = array<i64: 768>}, {pipeline_mode = #tpu.pipeline_mode<synchronous>, transform_indices = @transform_4, window_bounds = array<i64: 768, 768>}, {pipeline_mode = #tpu.pipeline_mode<synchronous>, transform_indices = @transform_5, window_bounds = array<i64: 768>}, {transform_indices = @transform_6, window_bounds = array<i64: 256, 8, 768>}, {pipeline_mode = #tpu.pipeline_mode<synchronous>, transform_indices = @transform_7, window_bounds = array<i64: 256, 768>}]} {
    %get3A = arith.constant 0 : index
    %get3A_0 = arith.constant 0 : index
    %get3A_1 = vector.load %arg2[%get3A, %get3A_0] : memref<256x768xf32, #tpu.memory_space<vmem>>, vector<256x768xf32>
    %get3A_2 = arith.constant 0 : index
    %get3A_3 = arith.constant 0 : index
    %get3A_4 = vector.load %arg3[%get3A_2, %get3A_3] : memref<768x768xf32, #tpu.memory_space<vmem>>, vector<768x768xf32>
    %dot_general3A = arith.constant dense<0.000000e+00> : vector<256x768xf32>
    %dot_general3A_5 = tpu.matmul %get3A_1, %get3A_4, %dot_general3A {dimension_numbers = #tpu.dot_dimension_numbers<[1], [1], [0], [0], [0, 0, 1, 0], [], []>, transpose_lhs_hint = false} : vector<256x768xf32>, vector<768x768xf32>, vector<256x768xf32> -> vector<256x768xf32>
    %get3A_6 = arith.constant 0 : index
    %get3A_7 = vector.load %arg4[%get3A_6] : memref<768xf32, #tpu.memory_space<vmem>>, vector<768xf32>
    %broadcast_in_dim3A = vector.shape_cast %get3A_7 : vector<768xf32> to vector<1x768xf32>
    %add3A = vector.broadcast %broadcast_in_dim3A : vector<1x768xf32> to vector<256x768xf32>
    %add3A_8 = arith.addf %dot_general3A_5, %add3A : vector<256x768xf32>
    %get3A_9 = arith.constant 0 : index
    %get3A_10 = arith.constant 0 : index
    %get3A_11 = vector.load %arg5[%get3A_9, %get3A_10] : memref<768x768xf32, #tpu.memory_space<vmem>>, vector<768x768xf32>
    %dot_general3A_12 = arith.constant dense<0.000000e+00> : vector<256x768xf32>
    %dot_general3A_13 = tpu.matmul %get3A_1, %get3A_11, %dot_general3A_12 {dimension_numbers = #tpu.dot_dimension_numbers<[1], [1], [0], [0], [0, 0, 1, 0], [], []>, transpose_lhs_hint = false} : vector<256x768xf32>, vector<768x768xf32>, vector<256x768xf32> -> vector<256x768xf32>
    %get3A_14 = arith.constant 0 : index
    %get3A_15 = vector.load %arg6[%get3A_14] : memref<768xf32, #tpu.memory_space<vmem>>, vector<768xf32>
    %broadcast_in_dim3A_16 = vector.shape_cast %get3A_15 : vector<768xf32> to vector<1x768xf32>
    %add3A_17 = vector.broadcast %broadcast_in_dim3A_16 : vector<1x768xf32> to vector<256x768xf32>
    %add3A_18 = arith.addf %dot_general3A_13, %add3A_17 : vector<256x768xf32>
    %broadcast_in_dim3A_19 = vector.shape_cast %add3A_8 : vector<256x768xf32> to vector<256x1x768xf32>
    %swap3A = arith.constant 0 : index
    %swap3A_20 = arith.constant 0 : index
    %swap3A_21 = arith.constant 0 : index
    %swap3A_22 = vector.load %arg7[%swap3A, %swap3A_20, %swap3A_21] : memref<256x8x768xf32, #tpu.memory_space<vmem>>, vector<256x1x768xf32>
    tpu.vector_store %arg7[%swap3A, %swap3A_20, %swap3A_21], %broadcast_in_dim3A_19 {strides = array<i32>} : memref<256x8x768xf32, #tpu.memory_space<vmem>>, vector<256x1x768xf32>,
    %get3A_23 = arith.constant 0 : index
    %get3A_24 = arith.constant 1 : index
    %get3A_25 = arith.constant 0 : index
    %get3A_26 = vector.load %arg1[%get3A_23, %get3A_24, %get3A_25] : memref<256x8x768xf32, #tpu.memory_space<vmem>>, vector<256x7x768xf32>
    %swap3A_27 = arith.constant 0 : index
    %swap3A_28 = arith.constant 1 : index
    %swap3A_29 = arith.constant 0 : index
    %swap3A_30 = vector.load %arg7[%swap3A_27, %swap3A_28, %swap3A_29] : memref<256x8x768xf32, #tpu.memory_space<vmem>>, vector<256x7x768xf32>
    tpu.vector_store %arg7[%swap3A_27, %swap3A_28, %swap3A_29], %get3A_26 {strides = array<i32>} : memref<256x8x768xf32, #tpu.memory_space<vmem>>, vector<256x7x768xf32>,
    %swap3A_31 = arith.constant 0 : index
    %swap3A_32 = arith.constant 0 : index
    %swap3A_33 = vector.load %arg8[%swap3A_31, %swap3A_32] : memref<256x768xf32, #tpu.memory_space<vmem>>, vector<256x768xf32>
    tpu.vector_store %arg8[%swap3A_31, %swap3A_32], %add3A_18 {strides = array<i32>} : memref<256x768xf32, #tpu.memory_space<vmem>>, vector<256x768xf32>,
    return
  }
  func.func @transform_0(%arg0: i32) -> (i32, i32, i32) {
    %c0_i32 = arith.constant 0 : i32
    %c0_i32_0 = arith.constant 0 : i32
    %c0_i32_1 = arith.constant 0 : i32
    %c0_i32_2 = arith.constant 0 : i32
    return %c0_i32, %c0_i32_0, %c0_i32_1 : i32, i32, i32
  }
  func.func @transform_1(%arg0: i32) -> (i32, i32) {
    %c0_i32 = arith.constant 0 : i32
    %c0_i32_0 = arith.constant 0 : i32
    %c0_i32_1 = arith.constant 0 : i32
    return %c0_i32, %c0_i32_0 : i32, i32
  }
  func.func @transform_2(%arg0: i32) -> (i32, i32) {
    %c0_i32 = arith.constant 0 : i32
    %c0_i32_0 = arith.constant 0 : i32
    %c0_i32_1 = arith.constant 0 : i32
    return %c0_i32, %c0_i32_0 : i32, i32
  }
  func.func @transform_3(%arg0: i32) -> i32 {
    %c0_i32 = arith.constant 0 : i32
    %c0_i32_0 = arith.constant 0 : i32
    return %c0_i32 : i32
  }
  func.func @transform_4(%arg0: i32) -> (i32, i32) {
    %c0_i32 = arith.constant 0 : i32
    %c0_i32_0 = arith.constant 0 : i32
    %c0_i32_1 = arith.constant 0 : i32
    return %c0_i32, %c0_i32_0 : i32, i32
  }
  func.func @transform_5(%arg0: i32) -> i32 {
    %c0_i32 = arith.constant 0 : i32
    %c0_i32_0 = arith.constant 0 : i32
    return %c0_i32 : i32
  }
  func.func @transform_6(%arg0: i32) -> (i32, i32, i32) {
    %c0_i32 = arith.constant 0 : i32
    %c0_i32_0 = arith.constant 0 : i32
    %c0_i32_1 = arith.constant 0 : i32
    %c0_i32_2 = arith.constant 0 : i32
    return %c0_i32, %c0_i32_0, %c0_i32_1 : i32, i32, i32
  }
  func.func @transform_7(%arg0: i32) -> (i32, i32) {
    %c0_i32 = arith.constant 0 : i32
    %c0_i32_0 = arith.constant 0 : i32
    %c0_i32_1 = arith.constant 0 : i32
    return %c0_i32, %c0_i32_0 : i32, i32
  }
}

module attributes {stable_mosaic.version = 14 : i64} {
  func.func @_scatter_body(%arg0: memref<256xi32, #tpu.memory_space<smem>>, %arg1: memref<256x768xf32, #tpu.memory_space<vmem>>, %arg2: memref<100000x768xf32, #tpu.memory_space<any>>, %arg3: memref<100000x768xf32, #tpu.memory_space<any>>, %arg4: memref<!tpu.dma_semaphore, #tpu.memory_space<semaphore_mem>>) attributes {dimension_semantics = [], scalar_prefetch = 0 : i64, scratch_operands = 1 : i64, tpu.core_type = #tpu.core_type<tc>} {
    %scan3A = arith.constant 0 : i32
    %scan3A_0 = arith.constant 256 : i32
    %scan3A_1 = arith.addi %scan3A, %scan3A_0 : i32
    %scan3A_2 = arith.constant 1 : i32
    scf.for %scan3A_9 = %scan3A to %scan3A_1 step %scan3A_2  : i32 {
      %get3A = arith.index_cast %scan3A_9 : i32 to index
      %get3A_10 = memref.load %arg0[%get3A] : memref<256xi32, #tpu.memory_space<smem>>
      %dma_start3A = arith.constant 0 : i32
      %dma_start3A_11 = tpu.memref_slice %arg3[%get3A_10, %dma_start3A] : memref<100000x768xf32, #tpu.memory_space<any>> -> memref<1x768xf32, #tpu.memory_space<any>>
      %dma_start3A_12 = arith.constant 0 : i32
      %dma_start3A_13 = tpu.memref_slice %arg1[%scan3A_9, %dma_start3A_12] : memref<256x768xf32, #tpu.memory_space<vmem>> -> memref<1x768xf32, #tpu.memory_space<vmem>>
      tpu.enqueue_dma source(%dma_start3A_13 : memref<1x768xf32, #tpu.memory_space<vmem>>) target(%dma_start3A_11 : memref<1x768xf32, #tpu.memory_space<any>>) target_semaphore(%arg4 : memref<!tpu.dma_semaphore, #tpu.memory_space<semaphore_mem>>)
    }
    %scan3A_3 = arith.constant 256 : i32
    %scan3A_4 = arith.constant 0 : i32
    %scan3A_5 = arith.constant 256 : i32
    %scan3A_6 = arith.addi %scan3A_4, %scan3A_5 : i32
    %scan3A_7 = arith.constant 1 : i32
    scf.for %scan3A_9 = %scan3A_4 to %scan3A_6 step %scan3A_7  : i32 {
      %get3A = arith.index_cast %scan3A_9 : i32 to index
      %get3A_10 = memref.load %arg0[%get3A] : memref<256xi32, #tpu.memory_space<smem>>
      %dma_wait3A = arith.constant 0 : i32
      %dma_wait3A_11 = tpu.memref_slice %arg3[%get3A_10, %dma_wait3A] : memref<100000x768xf32, #tpu.memory_space<any>> -> memref<1x768xf32, #tpu.memory_space<any>>
      %dma_wait3A_12 = arith.constant 0 : i32
      %dma_wait3A_13 = tpu.memref_slice %arg1[%scan3A_9, %dma_wait3A_12] : memref<256x768xf32, #tpu.memory_space<vmem>> -> memref<1x768xf32, #tpu.memory_space<vmem>>
      tpu.wait_dma2 semaphore(%arg4 : memref<!tpu.dma_semaphore, #tpu.memory_space<semaphore_mem>>) src(%dma_wait3A_13 : memref<1x768xf32, #tpu.memory_space<vmem>>) dst(%dma_wait3A_11 : memref<1x768xf32, #tpu.memory_space<any>>)
    }
    %scan3A_8 = arith.constant 256 : i32
    return
  }
}

</mosaic_0001>

<sc_bundles>
// kernel: kernel.6.cloned.1.call-start
scs
__scs_entry_jumppad:
0x0: {  	(pc) =	sbr.rel $0x88, $3  }
0x1: {  	(tag) =	ssettag $0x0;
	lr =	simm.s32 $0x1  }
0x2: {  	[smem:$0x3F9A] =	sst lr;
	_ =	strace $0xD0000000  }
0x3: {  	_ = 	snop  }
0x4: {  	_ = 	snop  }
0x5: {  	_ = 	snop  }
0x6: {  	_ = 	snop  }
0x7: {  	_ = 	snop  }
__scs_overlays_trampoline_lowered:
0x8: {  	[smem:$0x3FA9] =	sst s0  }
0x9: {  	[smem:$0x3FAA] =	sst s1  }
0xa: {  	[smem:$0x3FAB] =	sst s2  }
0xb: {  	[smem:$0x3FAC] =	sst s3  }
0xc: {  	[smem:$0x3FAD] =	sst s4  }
0xd: {  	[smem:$0x3FAE] =	sst s5  }
0xe: {  	[smem:$0x3FAF] =	sst s6  }
0xf: {  	[smem:$0x3FB0] =	sst s7  }
0x10: {  	[smem:$0x3FB1] =	sst s8  }
0x11: {  	[smem:$0x3FB2] =	sst s9;
	s0 =	simm.s32 @!p0 $0x0  }
0x12: {  	s1 =	sld [smem:$0x3F98];
	s0 =	simm.s32 @p0 $0x1  }
0x13: {  	[smem:$0x3FB3] =	sst s0;
	s0 =	simm.s32 @!p1 $0x0  }
0x14: {  	s2 =	sld [smem:$0x3F97];
	s0 =	simm.s32 @p1 $0x1  }
0x15: {  	[smem:$0x3FB4] =	sst s0;
	s0 =	simm.s32 @!p2 $0x0  }
0x16: {  	s3 =	sld [smem:$0x3FDB];
	s0 =	simm.s32 @p2 $0x1  }
0x17: {  	s4 =	simm.s32 $0x1BF5;
	[smem:$0x3FB6] =	sst s0  }
0x18: {  	s0 =	sld [smem:$0x3F99];
	_ =	swait.ge [sflag:s4], $0x0  }
0x19: {  	s7 =	sld [smem:$0x3F9A]  }
0x1a: {  	s8 =	sadd.s32 $0xFFFFE003, lr  }
0x1b: {  	s9 =	sadd.s32 $0xFFFFFEF7, lr;
	s5 =	simm.s32 $0xFFFFFFFF;
	p2 =	slt.u32 s8, $0xFFFFF086  }
0x1c: {  	p1 =	slt.u32 s9, $0xF7A;
	s5 =	simm.s32 @!p2 $0x0  }
0x1d: {  	s5 =	simm.s32 @p1 $0x1;
	p0 =	seq.s32 s7, s2  }
0x1e: {  	s7 =	smul.u32 @!p0 $0xF7A, s2;
	p2 =	seq.s32 @!p0 s5, $0x0  }
0x1f: {  	s9 =	smul.u32 $0xF7A, s1;
	s8 =	simm.s32 @!p0 $0x1BF5;
	p2 =	por !p2, p0  }
0x20: {  	[sflag:s8] =	ssyncset.s32 @!p0 $0xFFFFF086;
	s6 =	sadd.s32 @!p0 s3, s7;
	s7 =	simm.s32 @!p0 $0x108  }
0x21: {  	s3 =	sadd.s32 s3, s9;
	s6 =	sadd.s32 @!p0 $0x88, s6;
	s7 =	simm.s32 @p2 $0x1082  }
0x22: {  	[simem:s7], [sflag:s8] =	dma.local @!p0 [hbm:s6], $0xF7A  }
0x23: {  	s9 =	sor.u32 $0xD0000000, s2;
	s6 =	simm.s32 $0x108;
	_ =	swait.ge @!p0 [sflag:s8], $0x0  }
0x24: {  	s3 =	sadd.s32 $0x88, s3;
	s6 =	simm.s32 @!p1 $0x1082;
	[sflag:s4] =	ssyncset.s32 $0xFFFFF086  }
0x25: {  	[simem:s6], [sflag:s4] =	dma.local [hbm:s3], $0xF7A  }
0x26: {  	[smem:$0x3F9A] =	sst s1;
	(tag) =	ssettag s2;
	_ =	strace s9  }
0x27: {  	s1 =	sld [smem:$0x3FAA]  }
0x28: {  	s2 =	sld [smem:$0x3FAB]  }
0x29: {  	s4 =	sld [smem:$0x3FAD]  }
0x2a: {  	p0 =	seq.s32 s5, $0x0;
	s5 =	sld [smem:$0x3FAE]  }
0x2b: {  	s6 =	sld [smem:$0x3FAF]  }
0x2c: {  	s7 =	sld [smem:$0x3FB0]  }
0x2d: {  	s3 =	simm.s32 $0x108;
	s8 =	sld [smem:$0x3FB1]  }
0x2e: {  	s3 =	simm.s32 @!p0 $0x1082;
	s9 =	sld [smem:$0x3FB2]  }
0x2f: {  	lr =	sadd.s32 s0, s3;
	s0 =	sld [smem:$0x3FA9]  }
0x30: {  	s3 =	sld [smem:$0x3FAC]  }
0x31: {  	[smem:$0x3FB5] =	sst s10  }
0x32: {  	s10 =	sld [smem:$0x3FB3];
	_ =	sdelay $0x3  }
0x33: {  	p0 =	seq.s32 s10, $0x1;
	s10 =	sld [smem:$0x3FB5];
	_ =	sdelay $0x3  }
0x34: {  	[smem:$0x3FB5] =	sst s10  }
0x35: {  	s10 =	sld [smem:$0x3FB4];
	_ =	sdelay $0x3  }
0x36: {  	p1 =	seq.s32 s10, $0x1;
	s10 =	sld [smem:$0x3FB5];
	_ =	sdelay $0x3  }
0x37: {  	[smem:$0x3FB5] =	sst s10  }
0x38: {  	s10 =	sld [smem:$0x3FB6]  }
0x39: {  	_ = 	snop;
	(pc) =	sbr.ind lr, $3  }
0x3a: {  	_ = 	snop  }
0x3b: {  	_ = 	snop  }
0x3c: {  	p2 =	seq.s32 s10, $0x1;
	s10 =	sld [smem:$0x3FB5]  }
0x3d: {  	_ =	shalt  }
0x3e: {  	_ =	shalt  }
0x3f: {  	_ =	shalt  }
0x40: {  	_ =	shalt  }
0x41: {  	_ =	shalt  }
0x42: {  	_ =	shalt  }
0x43: {  	_ =	shalt  }
0x44: {  	_ =	shalt  }
0x45: {  	_ =	shalt  }
0x46: {  	_ =	shalt  }
0x47: {  	_ =	shalt  }
0x48: {  	_ =	shalt  }
0x49: {  	_ =	shalt  }
0x4a: {  	_ =	shalt  }
0x4b: {  	_ =	shalt  }
0x4c: {  	_ =	shalt  }
0x4d: {  	_ =	shalt  }
0x4e: {  	_ =	shalt  }
0x4f: {  	_ =	shalt  }
0x50: {  	_ =	shalt  }
0x51: {  	_ =	shalt  }
0x52: {  	_ =	shalt  }
0x53: {  	_ =	shalt  }
0x54: {  	_ =	shalt  }
0x55: {  	_ =	shalt  }
0x56: {  	_ =	shalt  }
0x57: {  	_ =	shalt  }
0x58: {  	_ =	shalt  }
0x59: {  	_ =	shalt  }
0x5a: {  	_ =	shalt  }
0x5b: {  	_ =	shalt  }
0x5c: {  	_ =	shalt  }
0x5d: {  	_ =	shalt  }
0x5e: {  	_ =	shalt  }
0x5f: {  	_ =	shalt  }
0x60: {  	_ =	shalt  }
0x61: {  	_ =	shalt  }
0x62: {  	_ =	shalt  }
0x63: {  	_ =	shalt  }
0x64: {  	_ =	shalt  }
0x65: {  	_ =	shalt  }
0x66: {  	_ =	shalt  }
0x67: {  	_ =	shalt  }
0x68: {  	_ =	shalt  }
0x69: {  	_ =	shalt  }
0x6a: {  	_ =	shalt  }
0x6b: {  	_ =	shalt  }
0x6c: {  	_ =	shalt  }
0x6d: {  	_ =	shalt  }
0x6e: {  	_ =	shalt  }
0x6f: {  	_ =	shalt  }
0x70: {  	_ =	shalt  }
0x71: {  	_ =	shalt  }
0x72: {  	_ =	shalt  }
0x73: {  	_ =	shalt  }
0x74: {  	_ =	shalt  }
0x75: {  	_ =	shalt  }
0x76: {  	_ =	shalt  }
0x77: {  	_ =	shalt  }
0x78: {  	_ =	shalt  }
0x79: {  	_ =	shalt  }
0x7a: {  	_ =	shalt  }
0x7b: {  	_ =	shalt  }
0x7c: {  	_ =	shalt  }
0x7d: {  	_ =	shalt  }
0x7e: {  	_ =	shalt  }
0x7f: {  	_ =	shalt  }
0x80: {  	_ =	shalt  }
0x81: {  	_ =	shalt  }
0x82: {  	_ =	shalt  }
0x83: {  	_ =	shalt  }
0x84: {  	_ =	shalt  }
0x85: {  	_ =	shalt  }
0x86: {  	_ =	shalt  }
0x87: {  	_ =	shalt  }
.Lfunc_end0:
.L_simem_size_0:
called_computation_lowered:
.L_overlay_start_0:
0x88: {  	s2 =	sld [smem:$0x3FD9]  }
0x89: {  	s3 =	sld [smem:$0x3FFE];
	_ =	sdelay $0x1  }
0x8a: {  	s1 =	srdreg.scid  }
0x8b: {  	s0 =	sand.u32 $0x1, s1  }
0x8c: {  	s14 =	sshll.u32 s0, $0xA;
	s2 =	sadd.s32 s3, s2  }
0x8d: {  	s2 =	sadd.s32 s2, s14  }
0x8e: {  	[smem:$0x3FC1] =	sst s2  }
0x8f: {  	_ = 	snop  }
0x90: {  	s2 =	sld [smem:$0x3FD0];
	_ =	sdelay $0x2  }
0x91: {  	s4 =	simm.s32 $0xB;
	s5 =	simm.s32 $0x10;
	s15 =	sld [smem:$0x3FC8]  }
0x92: {  	[smem:s5], [sflag:s4] =	dma.local [hbm:s2], $0x1  }
0x93: {  	_ =	swait.eq [sflag:s4], $0x1  }
0x94: {  	[sflag:s4] =	ssyncset.done $0x0  }
0x95: {  	[sflag:s4] =	ssyncadd.s32 $0xFFFFFFFF  }
0x96: {  	s16 =	sld [smem:$0x10];
	(tm) =	ssettm $0x1  }
0x97: {  	s17 =	sld [smem:$0x3FFB];
	_ =	sdelay $0x3  }
0x98: {  	_ =	strace s17  }
0x99: {  	s4 =	sld [smem:$0x3FFC];
	_ =	sdelay $0x3  }
0x9a: {  	_ =	strace s4  }
0x9b: {  	s4 =	sld [smem:$0x3FFD];
	_ =	sdelay $0x3  }
0x9c: {  	_ =	strace s4  }
0x9d: {  	_ =	strace $0x8FFFFFFF  }
0x9e: {  	s18 =	sld [smem:$0x3FDB];
	_ =	sdelay $0x1  }
0x9f: {  	s19 =	simm.s32 $_scs_section_size  }
0xa0: {  	s6 =	simm.s32 $_size__tile_overlayer_lowered;
	s7 =	simm.s32 $_tile_overlayer_lowered  }
0xa1: {  	s22 =	simm.s32 $0x1BFF;
	s21 =	sshll.u32 s7, $0x1;
	s4 =	sadd.s32 s19, s18  }
0xa2: {  	s8 =	simm.s32 $0x0;
	s20 =	sshll.u32 s6, $0x1;
	s6 =	sadd.s32 s21, s4  }
0xa3: {  	[timem:s8], [sflag:s22] =	dma.local [hbm:s6], s20  }
0xa4: {  	_ =	swait.ge [sflag:s22], s20  }
0xa5: {  	s5 =	ssub.s32 $0x0, s20;
	[sflag:s22] =	ssyncset.done $0x0  }
0xa6: {  	[sflag:s22] =	ssyncadd.s32 s5;
	_ =	sdelay $0x1  }
0xa7: {  	s23 =	simm.s32 $0x1B8B  }
0xa8: {  	_ =	swait.ge [sflag:s23], $0x1  }
0xa9: {  	[sflag:s23] =	ssyncset.done $0x0  }
0xaa: {  	s25 =	simm.s32 $0x1B8E;
	s24 =	sld [smem:$0x3FFE];
	[sflag:s23] =	ssyncadd.s32 $0xFFFFFFFF  }
0xab: {  	s26 =	simm.s32 $execute0_lowered;
	[smem:$0x3FD2] =	sst s25  }
0xac: {  	s6 =	sshll.u32 s26, $0x1;
	_ =	strace $0x80000046;
	[dreg:$0x1] =	wrdreg $0xFFFFFFFF  }
0xad: {  	s28 =	simm.s32 $_size_execute0_lowered;
	s4 =	sadd.s32 s4, s6;
	[dreg:$0x0] =	wrdreg $0x0  }
0xae: {  	s6 =	sshll.u32 s28, $0x1;
	[dreg:$0x2] =	wrdreg s4  }
0xaf: {  	[dreg:$0x3] =	wrdreg s6  }
0xb0: {  	[dreg:$0x4] =	wrdreg $0xC0  }
0xb1: {  	_ =	task [dreg:s8], $0x5FFFF  }
0xb2: {  	[dreg:$0x1] =	wrdreg $0xFFFFFFFF  }
0xb3: {  	[dreg:$0x0] =	wrdreg $0x60  }
0xb4: {  	[dreg:$0x2] =	wrdreg s15  }
0xb5: {  	[dreg:$0x3] =	wrdreg s24  }
0xb6: {  	[dreg:$0x4] =	wrdreg s16  }
0xb7: {  	[dreg:$0x5] =	wrdreg $0x9  }
0xb8: {  	_ =	task.clear_ibuf [dreg:s8], $0x6FFFF;
	_ =	strace $0x90000046  }
0xb9: {  	s29 =	simm.s32 $0x9;
	_ =	strace $0x80000048  }
0xba: {  	_ =	swait.ge [sflag:s29], $0x1  }
0xbb: {  	[sflag:s29] =	ssyncadd.s32 $0xFFFFFFFF  }
0xbc: {  	_ =	strace $0x90000048  }
0xbd: {  	_ =	sfence  }
0xbe: {  	s30 =	sld [smem:$0x0];
	_ =	sdelay $0x2  }
0xbf: {  	s31 =	sshll.u32 s1, $0xD;
	s1 =	sshrl.u32 s1, $0x2  }
0xc0: {  	s3 =	sand.u32 $0x4000, s31;
	s1 =	sadd.s32 s1, s30  }
0xc1: {  	s0 =	sor.u32 s3, s0;
	s1 =	sshll.u32 s1, $0x11  }
0xc2: {  	s0 =	sor.u32 s1, s0  }
0xc3: {  	s0 =	sadd.s32 $0x8F2B, s0  }
0xc4: {  	[sflag:s0] =	ssyncadd.remote.s32 $0x1  }
0xc5: {  	_ =	sfence.sel $0xFFFF  }
0xc6: {  	[dreg:$0x0] =	wrdreg $0xFFFFFFFF;
	(pc) =	sbr.abs _section_cstart, $3  }
0xc7: {  	[dreg:$0x1] =	wrdreg $0xFFFFFFFF  }
0xc8: {  	_ =	task.clear_ibuf [dreg:s8], $0x2FFFF;
	_ =	strace $0x9FFFFFFF  }
0xc9: {  	(tm) =	ssettm $0x7FFFFFFF  }
tec
execute0_lowered:
.L_overlay_start_1:
0x0: {  	(tag) =	ssettag $0x1  }
0x1: {  	s2 =	rddreg [dreg:$0x0]  }
0x2: {  	s4 =	rddreg [dreg:$0x1]  }
0x3: {  	s1 =	srdreg.scid;
	s0 =	stileid.u32  }
0x4: {  	s12 =	rddreg [dreg:$0x2];
	s7 =	sand.u32 $0x1, s1;
	s5 =	sshll.u32 s0, $0x1  }
0x5: {  	s3 =	simm.s32 $0x0;
	s1 =	rddreg [dreg:$0x3];
	s13 =	sor.u32 s7, s5  }
0x6: {  	[smem:$0x7FF] =	sst s3;
	s4 =	sadd.s32 s13, s4  }
0x7: {  	_ =	strace $0x80000047;
	s5 =	sadd.s32 $0x1600, s4;
	s4 =	simm.s32 $0x2  }
0x8: {  	[tilespmem:s3], [sflag:$0x2] =	stream.linear.gather [hbm4b:s5+s3], $0x8, $0x38;
	[tilespmem:$0x1880] =	vst v63  }
0x9: {  	_ =	swait.ge [sflag:s4], $0x8  }
0xa: {  	[sflag:s4] =	ssyncset.done $0x0  }
0xb: {  	[sflag:s4] =	ssyncadd.s32 $0xFFFFFFF8  }
0xc: {  	v0 =	vld.msk [tilespmem:$0x0], $0xff;
	_ =	sdelay $0x4  }
0xd: {  	v1 =	vshrl.u32 v0, $0x3  }
0xe: {  	v1 =	vmul.u32 $0x30, v1  }
0xf: {  	v2 =	vlaneseq.u32;
	v3 =	vand.u32 $0x7, v0  }
0x10: {  	v0 =	vand.u32 $0x7, v2;
	v2 =	vshrl.u32 v2, $0x3;
	v3 =	vor.u32 v3, v1  }
0x11: {  	v1 =	vmul.u32 $0x8, v2;
	v2 =	vperm.xlane v3, v0;
	_ =	sdelay $0x1  }
0x12: {  	v2 =	vadd.s32 v1, v2;
	_ =	sdelay $0x2  }
0x13: {  	s14 =	ssub.s32 $0x2, s7  }
0x14: {  	vm0 =	vmmov $0xffff;
	s6 =	simm.s32 $0x80;
	s8 =	simm.s32 $0x880;
	s15 =	sshrl.u32 s14, $0x1  }
0x15: {  	[tilespmem:s6], [sflag:$0x1] =	stream.indirect_vreg.gather [hbm4b:s2+s3], $0x80, v2, vm0, $0xb8;
	[tilespmem:$0x1880] =	vst v63  }
0x16: {  	s10 =	simm.s32 $0x1080;
	s7 =	sadd.s32 $0x100, s2;
	s14 =	ssub.s32 s14, s15  }
0x17: {  	[tilespmem:s8], [sflag:$0x1] =	stream.indirect_vreg.gather [hbm4b:s7+s3], $0x80, v2, vm0, $0xb8;
	[tilespmem:$0x1880] =	vst v63  }
0x18: {  	s11 =	simm.s32 $0x1;
	s9 =	sadd.s32 $0x200, s2;
	s31 =	smax.u32 s14, $0x1  }
0x19: {  	[tilespmem:s10], [sflag:$0x1] =	stream.indirect_vreg.gather [hbm4b:s9+s3], $0x80, v2, vm0, $0xb8;
	[tilespmem:$0x1880] =	vst v63  }
0x1a: {  	s13 =	smul.u32 $0x300, s13;
	p0 =	sne.s32 s31, $0x1;
	_ =	swait.ge [sflag:s11], $0x1800  }
.Ltmp0:
0x1b: {  	[sflag:s11] =	ssyncset.done $0x0;
	(pc) =	sbr.rel @!p0 .LBB2_2-.Ltmp0, $4  }
0x1c: {  	s12 =	sadd.s32 s12, s13;
	[sflag:s11] =	ssyncadd.s32 $0xFFFFE800  }
0x1d: {  	[hbm4b:s12+s3] =	stream.linear.scatter [tilespmem:s6], [sflag:$0x2], $0x1800, $0x38;
	[tilespmem:$0x1880] =	vst v63  }
0x1e: {  	_ =	swait.ge [sflag:s4], $0x1800  }
0x1f: {  	s13 =	sadd.s32 $0xFFFFFFFF, s31;
	[sflag:s4] =	ssyncset.done $0x0  }
.LBB2_1:
0x20: {  	p0 =	sne.s32 s13, $0x1;
	s13 =	sadd.s32 $0xFFFFFFFF, s13;
	[sflag:s4] =	ssyncadd.s32 $0xFFFFE800  }
0x21: {  	[tilespmem:s3], [sflag:$0x2] =	stream.linear.gather [hbm4b:s5+s3], $0x8, $0x38;
	[tilespmem:$0x1880] =	vst v63  }
0x22: {  	_ =	swait.ge [sflag:s4], $0x8  }
0x23: {  	[sflag:s4] =	ssyncset.done $0x0  }
0x24: {  	[sflag:s4] =	ssyncadd.s32 $0xFFFFFFF8  }
0x25: {  	v2 =	vld.msk [tilespmem:$0x0], $0xff;
	_ =	sdelay $0x4  }
0x26: {  	v3 =	vshrl.u32 v2, $0x3  }
0x27: {  	v3 =	vmul.u32 $0x30, v3  }
0x28: {  	v2 =	vand.u32 $0x7, v2  }
0x29: {  	v2 =	vor.u32 v2, v3  }
0x2a: {  	v2 =	vperm.xlane v2, v0;
	_ =	sdelay $0x1  }
0x2b: {  	v2 =	vadd.s32 v1, v2;
	_ =	sdelay $0x4  }
0x2c: {  	[tilespmem:s6], [sflag:$0x1] =	stream.indirect_vreg.gather [hbm4b:s2+s3], $0x80, v2, vm0, $0xb8;
	[tilespmem:$0x1880] =	vst v63  }
0x2d: {  	_ = 	snop  }
0x2e: {  	[tilespmem:s8], [sflag:$0x1] =	stream.indirect_vreg.gather [hbm4b:s7+s3], $0x80, v2, vm0, $0xb8;
	[tilespmem:$0x1880] =	vst v63  }
0x2f: {  	_ = 	snop  }
0x30: {  	[tilespmem:s10], [sflag:$0x1] =	stream.indirect_vreg.gather [hbm4b:s9+s3], $0x80, v2, vm0, $0xb8;
	[tilespmem:$0x1880] =	vst v63  }
0x31: {  	_ =	swait.ge [sflag:s11], $0x1800  }
.Ltmp1:
0x32: {  	[sflag:s11] =	ssyncset.done $0x0;
	(pc) =	sbr.rel @p0 .LBB2_1-.Ltmp1, $4  }
0x33: {  	[sflag:s11] =	ssyncadd.s32 $0xFFFFE800  }
0x34: {  	[hbm4b:s12+s3] =	stream.linear.scatter [tilespmem:s6], [sflag:$0x2], $0x1800, $0x38;
	[tilespmem:$0x1880] =	vst v63  }
0x35: {  	_ =	swait.ge [sflag:s4], $0x1800  }
0x36: {  	[sflag:s4] =	ssyncset.done $0x0  }
.LBB2_2:
0x37: {  	[sflag:s4] =	ssyncadd.s32 $0xFFFFE800  }
0x38: {  	_ =	sfence.sel $0x180000  }
0x39: {  	[bflag:$0x0] =	sbarrier.arrive $0xFFFF  }
0x3a: {  	p0 =	sne.s32 s0, $0x0;
	_ =	strace $0x90000047  }
0x3b: {  	s0 =	sadd.s32 @!p0 $0x100000, s1;
	[bflag:$0x2] =	sbarrier.arrive $0xFFFF  }
0x3c: {  	[sflag:s0] =	ssyncadd.tile.s32 @!p0 $0x1;
	_ =	shalt  }
.Lfunc_end2:
_tile_overlayer_lowered:
.L_overlay_start_2:
0x3d: {  	(tag) =	ssettag $0x2  }
0x3e: {  	s0 =	rddreg [dreg:$0x0];
	s2 =	stileid.u32  }
0x3f: {  	s1 =	rddreg [dreg:$0x1];
	p0 =	sne.s32 s2, $0x0  }
0x40: {  	s3 =	rddreg [dreg:$0x2];
	[bflag:$0x3] =	sbarrier.arrive $0xFFFF;
	s2 =	simm.s32 @!p0 $0x1C02  }
0x41: {  	[timem:s3], [sflag:s2] =	dma.local @!p0 [hbm:s0], s1  }
0x42: {  	s0 =	simm.s32 @!p0 $0x2  }
0x43: {  	_ =	swait.ge @!p0 [sflag:s0], s1  }
0x44: {  	s1 =	ssub.s32 @!p0 $0x0, s1;
	[sflag:s0] =	ssyncset.done @!p0 $0x0  }
0x45: {  	[sflag:s0] =	ssyncadd.s32 @!p0 s1  }
0x46: {  	[bflag:$0x3] =	sbarrier.arrive $0xFFFF  }
0x47: {  	_ =	shalt  }

// kernel: kernel.9.cloned.1.call-start
scs
__scs_entry_jumppad:
0x0: {  	(pc) =	sbr.rel $0x88, $3  }
0x1: {  	(tag) =	ssettag $0x0;
	lr =	simm.s32 $0x1  }
0x2: {  	[smem:$0x3F9A] =	sst lr;
	_ =	strace $0xD0000000  }
0x3: {  	_ = 	snop  }
0x4: {  	_ = 	snop  }
0x5: {  	_ = 	snop  }
0x6: {  	_ = 	snop  }
0x7: {  	_ = 	snop  }
__scs_overlays_trampoline_lowered:
0x8: {  	[smem:$0x3FA9] =	sst s0  }
0x9: {  	[smem:$0x3FAA] =	sst s1  }
0xa: {  	[smem:$0x3FAB] =	sst s2  }
0xb: {  	[smem:$0x3FAC] =	sst s3  }
0xc: {  	[smem:$0x3FAD] =	sst s4  }
0xd: {  	[smem:$0x3FAE] =	sst s5  }
0xe: {  	[smem:$0x3FAF] =	sst s6  }
0xf: {  	[smem:$0x3FB0] =	sst s7  }
0x10: {  	[smem:$0x3FB1] =	sst s8  }
0x11: {  	[smem:$0x3FB2] =	sst s9;
	s0 =	simm.s32 @!p0 $0x0  }
0x12: {  	s1 =	sld [smem:$0x3F98];
	s0 =	simm.s32 @p0 $0x1  }
0x13: {  	[smem:$0x3FB3] =	sst s0;
	s0 =	simm.s32 @!p1 $0x0  }
0x14: {  	s2 =	sld [smem:$0x3F97];
	s0 =	simm.s32 @p1 $0x1  }
0x15: {  	[smem:$0x3FB4] =	sst s0;
	s0 =	simm.s32 @!p2 $0x0  }
0x16: {  	s3 =	sld [smem:$0x3FDB];
	s0 =	simm.s32 @p2 $0x1  }
0x17: {  	s4 =	simm.s32 $0x1BF5;
	[smem:$0x3FB6] =	sst s0  }
0x18: {  	s0 =	sld [smem:$0x3F99];
	_ =	swait.ge [sflag:s4], $0x0  }
0x19: {  	s7 =	sld [smem:$0x3F9A]  }
0x1a: {  	s8 =	sadd.s32 $0xFFFFE003, lr  }
0x1b: {  	s9 =	sadd.s32 $0xFFFFFEF7, lr;
	s5 =	simm.s32 $0xFFFFFFFF;
	p2 =	slt.u32 s8, $0xFFFFF086  }
0x1c: {  	p1 =	slt.u32 s9, $0xF7A;
	s5 =	simm.s32 @!p2 $0x0  }
0x1d: {  	s5 =	simm.s32 @p1 $0x1;
	p0 =	seq.s32 s7, s2  }
0x1e: {  	s7 =	smul.u32 @!p0 $0xF7A, s2;
	p2 =	seq.s32 @!p0 s5, $0x0  }
0x1f: {  	s9 =	smul.u32 $0xF7A, s1;
	s8 =	simm.s32 @!p0 $0x1BF5;
	p2 =	por !p2, p0  }
0x20: {  	[sflag:s8] =	ssyncset.s32 @!p0 $0xFFFFF086;
	s6 =	sadd.s32 @!p0 s3, s7;
	s7 =	simm.s32 @!p0 $0x108  }
0x21: {  	s3 =	sadd.s32 s3, s9;
	s6 =	sadd.s32 @!p0 $0x88, s6;
	s7 =	simm.s32 @p2 $0x1082  }
0x22: {  	[simem:s7], [sflag:s8] =	dma.local @!p0 [hbm:s6], $0xF7A  }
0x23: {  	s9 =	sor.u32 $0xD0000000, s2;
	s6 =	simm.s32 $0x108;
	_ =	swait.ge @!p0 [sflag:s8], $0x0  }
0x24: {  	s3 =	sadd.s32 $0x88, s3;
	s6 =	simm.s32 @!p1 $0x1082;
	[sflag:s4] =	ssyncset.s32 $0xFFFFF086  }
0x25: {  	[simem:s6], [sflag:s4] =	dma.local [hbm:s3], $0xF7A  }
0x26: {  	[smem:$0x3F9A] =	sst s1;
	(tag) =	ssettag s2;
	_ =	strace s9  }
0x27: {  	s1 =	sld [smem:$0x3FAA]  }
0x28: {  	s2 =	sld [smem:$0x3FAB]  }
0x29: {  	s4 =	sld [smem:$0x3FAD]  }
0x2a: {  	p0 =	seq.s32 s5, $0x0;
	s5 =	sld [smem:$0x3FAE]  }
0x2b: {  	s6 =	sld [smem:$0x3FAF]  }
0x2c: {  	s7 =	sld [smem:$0x3FB0]  }
0x2d: {  	s3 =	simm.s32 $0x108;
	s8 =	sld [smem:$0x3FB1]  }
0x2e: {  	s3 =	simm.s32 @!p0 $0x1082;
	s9 =	sld [smem:$0x3FB2]  }
0x2f: {  	lr =	sadd.s32 s0, s3;
	s0 =	sld [smem:$0x3FA9]  }
0x30: {  	s3 =	sld [smem:$0x3FAC]  }
0x31: {  	[smem:$0x3FB5] =	sst s10  }
0x32: {  	s10 =	sld [smem:$0x3FB3];
	_ =	sdelay $0x3  }
0x33: {  	p0 =	seq.s32 s10, $0x1;
	s10 =	sld [smem:$0x3FB5];
	_ =	sdelay $0x3  }
0x34: {  	[smem:$0x3FB5] =	sst s10  }
0x35: {  	s10 =	sld [smem:$0x3FB4];
	_ =	sdelay $0x3  }
0x36: {  	p1 =	seq.s32 s10, $0x1;
	s10 =	sld [smem:$0x3FB5];
	_ =	sdelay $0x3  }
0x37: {  	[smem:$0x3FB5] =	sst s10  }
0x38: {  	s10 =	sld [smem:$0x3FB6]  }
0x39: {  	_ = 	snop;
	(pc) =	sbr.ind lr, $3  }
0x3a: {  	_ = 	snop  }
0x3b: {  	_ = 	snop  }
0x3c: {  	p2 =	seq.s32 s10, $0x1;
	s10 =	sld [smem:$0x3FB5]  }
0x3d: {  	_ =	shalt  }
0x3e: {  	_ =	shalt  }
0x3f: {  	_ =	shalt  }
0x40: {  	_ =	shalt  }
0x41: {  	_ =	shalt  }
0x42: {  	_ =	shalt  }
0x43: {  	_ =	shalt  }
0x44: {  	_ =	shalt  }
0x45: {  	_ =	shalt  }
0x46: {  	_ =	shalt  }
0x47: {  	_ =	shalt  }
0x48: {  	_ =	shalt  }
0x49: {  	_ =	shalt  }
0x4a: {  	_ =	shalt  }
0x4b: {  	_ =	shalt  }
0x4c: {  	_ =	shalt  }
0x4d: {  	_ =	shalt  }
0x4e: {  	_ =	shalt  }
0x4f: {  	_ =	shalt  }
0x50: {  	_ =	shalt  }
0x51: {  	_ =	shalt  }
0x52: {  	_ =	shalt  }
0x53: {  	_ =	shalt  }
0x54: {  	_ =	shalt  }
0x55: {  	_ =	shalt  }
0x56: {  	_ =	shalt  }
0x57: {  	_ =	shalt  }
0x58: {  	_ =	shalt  }
0x59: {  	_ =	shalt  }
0x5a: {  	_ =	shalt  }
0x5b: {  	_ =	shalt  }
0x5c: {  	_ =	shalt  }
0x5d: {  	_ =	shalt  }
0x5e: {  	_ =	shalt  }
0x5f: {  	_ =	shalt  }
0x60: {  	_ =	shalt  }
0x61: {  	_ =	shalt  }
0x62: {  	_ =	shalt  }
0x63: {  	_ =	shalt  }
0x64: {  	_ =	shalt  }
0x65: {  	_ =	shalt  }
0x66: {  	_ =	shalt  }
0x67: {  	_ =	shalt  }
0x68: {  	_ =	shalt  }
0x69: {  	_ =	shalt  }
0x6a: {  	_ =	shalt  }
0x6b: {  	_ =	shalt  }
0x6c: {  	_ =	shalt  }
0x6d: {  	_ =	shalt  }
0x6e: {  	_ =	shalt  }
0x6f: {  	_ =	shalt  }
0x70: {  	_ =	shalt  }
0x71: {  	_ =	shalt  }
0x72: {  	_ =	shalt  }
0x73: {  	_ =	shalt  }
0x74: {  	_ =	shalt  }
0x75: {  	_ =	shalt  }
0x76: {  	_ =	shalt  }
0x77: {  	_ =	shalt  }
0x78: {  	_ =	shalt  }
0x79: {  	_ =	shalt  }
0x7a: {  	_ =	shalt  }
0x7b: {  	_ =	shalt  }
0x7c: {  	_ =	shalt  }
0x7d: {  	_ =	shalt  }
0x7e: {  	_ =	shalt  }
0x7f: {  	_ =	shalt  }
0x80: {  	_ =	shalt  }
0x81: {  	_ =	shalt  }
0x82: {  	_ =	shalt  }
0x83: {  	_ =	shalt  }
0x84: {  	_ =	shalt  }
0x85: {  	_ =	shalt  }
0x86: {  	_ =	shalt  }
0x87: {  	_ =	shalt  }
.Lfunc_end0:
.L_simem_size_0:
called_computation.1_lowered:
.L_overlay_start_0:
0x88: {  	s2 =	sld [smem:$0x3FD9]  }
0x89: {  	s3 =	sld [smem:$0x3FFE];
	_ =	sdelay $0x1  }
0x8a: {  	s1 =	srdreg.scid  }
0x8b: {  	s0 =	sand.u32 $0x1, s1  }
0x8c: {  	s16 =	sshll.u32 s0, $0xA;
	s2 =	sadd.s32 s3, s2  }
0x8d: {  	s2 =	sadd.s32 s2, s16  }
0x8e: {  	[smem:$0x3FC1] =	sst s2  }
0x8f: {  	_ = 	snop  }
0x90: {  	s2 =	sld [smem:$0x3FD0];
	_ =	sdelay $0x2  }
0x91: {  	s4 =	simm.s32 $0xB;
	s5 =	simm.s32 $0x10;
	s17 =	sld [smem:$0x3FC8]  }
0x92: {  	[smem:s5], [sflag:s4] =	dma.local [hbm:s2], $0x1  }
0x93: {  	_ =	swait.eq [sflag:s4], $0x1  }
0x94: {  	[sflag:s4] =	ssyncset.done $0x0  }
0x95: {  	[sflag:s4] =	ssyncadd.s32 $0xFFFFFFFF  }
0x96: {  	s18 =	sld [smem:$0x11];
	(tm) =	ssettm $0x1  }
0x97: {  	s19 =	sld [smem:$0x3FFB];
	_ =	sdelay $0x3  }
0x98: {  	_ =	strace s19  }
0x99: {  	s2 =	sld [smem:$0x3FFC];
	_ =	sdelay $0x3  }
0x9a: {  	_ =	strace s2  }
0x9b: {  	s2 =	sld [smem:$0x3FFD];
	_ =	sdelay $0x3  }
0x9c: {  	_ =	strace s2  }
0x9d: {  	_ =	strace $0x8FFFFFFF  }
0x9e: {  	s20 =	sld [smem:$0x3FDB];
	_ =	sdelay $0x1  }
0x9f: {  	s21 =	simm.s32 $_scs_section_size  }
0xa0: {  	s6 =	simm.s32 $_size__tile_overlayer_lowered;
	s7 =	simm.s32 $_tile_overlayer_lowered  }
0xa1: {  	s8 =	simm.s32 $0x1BFF;
	s22 =	sshll.u32 s7, $0x1;
	s5 =	sadd.s32 s21, s20  }
0xa2: {  	s23 =	simm.s32 $0x0;
	s6 =	sshll.u32 s6, $0x1;
	s7 =	sadd.s32 s22, s5  }
0xa3: {  	[timem:s23], [sflag:s8] =	dma.local [hbm:s7], s6  }
0xa4: {  	_ =	swait.ge [sflag:s8], s6  }
0xa5: {  	s6 =	ssub.s32 $0x0, s6;
	[sflag:s8] =	ssyncset.done $0x0  }
0xa6: {  	[sflag:s8] =	ssyncadd.s32 s6;
	_ =	sdelay $0x1  }
0xa7: {  	s24 =	simm.s32 $0x1B8B  }
0xa8: {  	_ =	swait.ge [sflag:s24], $0x1  }
0xa9: {  	[sflag:s24] =	ssyncset.done $0x0  }
0xaa: {  	[sflag:s24] =	ssyncadd.s32 $0xFFFFFFFF  }
0xab: {  	s6 =	sld [smem:$0x0]  }
0xac: {  	s7 =	sand.u32 $0xFFFFFFFE, s1  }
0xad: {  	p0 =	sne.s32 s1, s7  }
0xae: {  	s7 =	sshll.u32 @p0 s7, $0xE  }
0xaf: {  	s7 =	sadd.s32 @p0 $0x11B8D, s7;
	s8 =	sshll.u32 @p0 s6, $0x11  }
0xb0: {  	s7 =	sor.u32 @p0 s8, s7  }
0xb1: {  	[sflag:s7] =	ssyncadd.remote.s32 @p0 $0x1;
	_ =	sdelay $0x1  }
0xb2: {  	s7 =	simm.s32 @p0 $0x1B8D  }
0xb3: {  	_ =	swait.eq @p0 [sflag:s7], $0x1  }
0xb4: {  	[sflag:s7] =	ssyncadd.s32 @p0 $0xFFFFFFFF  }
0xb5: {  	s8 =	sshll.u32 @!p0 s1, $0xE  }
0xb6: {  	s8 =	sor.u32 @!p0 $0x4000, s8;
	s7 =	simm.s32 @!p0 $0x1B8D  }
0xb7: {  	s6 =	sshll.u32 @!p0 s6, $0x11;
	s8 =	sadd.s32 @!p0 $0x11B8D, s8;
	_ =	swait.eq @!p0 [sflag:s7], $0x1  }
0xb8: {  	s6 =	sor.u32 @!p0 s6, s8;
	[sflag:s7] =	ssyncadd.s32 @!p0 $0xFFFFFFFF  }
0xb9: {  	s25 =	simm.s32 $0x1B8E;
	[sflag:s6] =	ssyncadd.remote.s32 @!p0 $0x1  }
0xba: {  	s26 =	simm.s32 $execute0_lowered;
	[smem:$0x3FD2] =	sst s25  }
0xbb: {  	s6 =	sshll.u32 s26, $0x1;
	_ =	strace $0x80000049;
	[dreg:$0x1] =	wrdreg $0xFFFFFFFF  }
0xbc: {  	s28 =	simm.s32 $_size_execute0_lowered;
	s5 =	sadd.s32 s5, s6;
	[dreg:$0x0] =	wrdreg $0x0  }
0xbd: {  	s6 =	sshll.u32 s28, $0x1;
	[dreg:$0x2] =	wrdreg s5  }
0xbe: {  	[dreg:$0x3] =	wrdreg s6  }
0xbf: {  	[dreg:$0x4] =	wrdreg $0xC0  }
0xc0: {  	_ =	task [dreg:s23], $0x5FFFF  }
0xc1: {  	[dreg:$0x1] =	wrdreg $0xFFFFFFFF  }
0xc2: {  	[dreg:$0x0] =	wrdreg $0x60  }
0xc3: {  	[dreg:$0x2] =	wrdreg s17  }
0xc4: {  	[dreg:$0x3] =	wrdreg s18  }
0xc5: {  	[dreg:$0x4] =	wrdreg $0x0  }
0xc6: {  	[dreg:$0x5] =	wrdreg $0x3F000  }
0xc7: {  	[dreg:$0x6] =	wrdreg $0x7E000  }
0xc8: {  	[dreg:$0x7] =	wrdreg $0xBD000  }
0xc9: {  	[dreg:$0x8] =	wrdreg $0xA  }
0xca: {  	_ =	task.clear_ibuf [dreg:s23], $0x9FFFF;
	_ =	strace $0x90000049  }
0xcb: {  	s29 =	simm.s32 $0xA;
	_ =	strace $0x8000004B  }
0xcc: {  	_ =	swait.ge [sflag:s29], $0x1  }
0xcd: {  	[sflag:s29] =	ssyncadd.s32 $0xFFFFFFFF  }
0xce: {  	_ =	strace $0x9000004B  }
0xcf: {  	_ =	sfence  }
0xd0: {  	s30 =	sld [smem:$0x0];
	_ =	sdelay $0x2  }
0xd1: {  	s31 =	sshll.u32 s1, $0xD;
	s1 =	sshrl.u32 s1, $0x2  }
0xd2: {  	s4 =	sand.u32 $0x4000, s31;
	s1 =	sadd.s32 s1, s30  }
0xd3: {  	s0 =	sor.u32 s4, s0;
	s1 =	sshll.u32 s1, $0x11  }
0xd4: {  	s0 =	sor.u32 s1, s0  }
0xd5: {  	s0 =	sadd.s32 $0x8F2B, s0  }
0xd6: {  	[sflag:s0] =	ssyncadd.remote.s32 $0x1  }
0xd7: {  	_ =	sfence.sel $0xFFFF  }
0xd8: {  	[dreg:$0x0] =	wrdreg $0xFFFFFFFF;
	(pc) =	sbr.abs _section_cstart, $3  }
0xd9: {  	[dreg:$0x1] =	wrdreg $0xFFFFFFFF  }
0xda: {  	_ =	task.clear_ibuf [dreg:s23], $0x2FFFF;
	_ =	strace $0x9FFFFFFF  }
0xdb: {  	(tm) =	ssettm $0x7FFFFFFF  }
tec
execute0_lowered:
.L_overlay_start_1:
0x0: {  	(tag) =	ssettag $0x1  }
0x1: {  	s13 =	rddreg [dreg:$0x0];
	s0 =	stileid.u32  }
0x2: {  	s14 =	rddreg [dreg:$0x1];
	p0 =	sne.s32 s0, $0x0  }
.Ltmp0:
0x3: {  	s7 =	rddreg [dreg:$0x2];
	(pc) =	sbr.rel @!p0 .LBB2_1-.Ltmp0, $4  }
0x4: {  	s2 =	rddreg [dreg:$0x3]  }
0x5: {  	s11 =	rddreg [dreg:$0x4];
	s5 =	simm.s32 $0x0  }
0x6: {  	[smem:$0x7FF] =	sst s5  }
0x7: {  	s4 =	rddreg [dreg:$0x5];
	_ =	strace $0x8000004A  }
.LBB2_16:
0x8: {  	_ =	sfence.sel $0x180000  }
0x9: {  	[bflag:$0x0] =	sbarrier.arrive $0xFFFF  }
0xa: {  	_ =	strace $0x9000004A  }
0xb: {  	[bflag:$0x2] =	sbarrier.arrive $0xFFFF  }
0xc: {  	s0 =	rddreg [dreg:$0x6]  }
0xd: {  	s0 =	sadd.s32 @!p0 $0x100000, s0  }
0xe: {  	[sflag:s0] =	ssyncadd.tile.s32 @!p0 $0x1;
	_ =	shalt  }
.LBB2_1:
0xf: {  	s0 =	srdreg.scid  }
0x10: {  	s16 =	sshrl.u32 s7, $0x3;
	s17 =	simm.s32 $0x1C02;
	s0 =	sand.u32 $0x1, s0  }
0x11: {  	s18 =	sshrl.u32 s2, $0x3;
	s19 =	simm.s32 $0x1C03;
	s1 =	smul.u32 $0xC350, s0  }
0x12: {  	s20 =	sshrl.u32 s11, $0x3;
	s21 =	simm.s32 $0x5;
	s22 =	simm.s32 $0x1  }
0x13: {  	s12 =	ssub.s32 $0x2, s0;
	s0 =	smul.u32 $0x493E00, s0;
	s1 =	sshrl.u32 s1, $0x3  }
0x14: {  	s23 =	simm.s32 $0x6;
	s24 =	simm.s32 $0x1C04;
	s1 =	smul.u32 $0x300, s1  }
0x15: {  	s25 =	simm.s32 $0x7;
	s26 =	simm.s32 $0x8;
	s15 =	sadd.s32 s0, s13  }
0x16: {  	s31 =	sshrl.u32 s12, $0x1;
	s15 =	sadd.s32 $0x17A00, s15;
	s6 =	sadd.s32 s13, s1  }
.Ltmp1:
0x17: {  	s1 =	sadd.s32 $0x48D800, s1;
	s3 =	sadd.s32 $0x7E00, s6;
	(pc) =	sbr.rel .LBB2_2-.Ltmp1, $4  }
0x18: {  	s29 =	sadd.s32 $0xFC00, s6;
	s9 =	sadd.s32 $0x17A00, s6;
	[dreg:$0x7] =	wrdreg s3  }
0x19: {  	s30 =	sadd.s32 s13, s1;
	s1 =	sadd.s32 s14, s1;
	[dreg:$0x8] =	wrdreg s29  }
0x1a: {  	s14 =	sadd.s32 s0, s14;
	[dreg:$0xa] =	wrdreg s1;
	s1 =	ssub.s32 s12, s31  }
0x1b: {  	[dreg:$0x9] =	wrdreg s30;
	s12 =	simm.s32 $0x1C01;
	s13 =	smax.u32 s1, $0x1  }
.LBB2_15:
0x1c: {  	_ =	swait.ge [sflag:s21], $0x7E00  }
0x1d: {  	[sflag:s21] =	ssyncset.done $0x0  }
0x1e: {  	[sflag:s21] =	ssyncadd.s32 $0xFFFF8200  }
0x1f: {  	_ =	swait.ge [sflag:s23], $0x7E00  }
0x20: {  	[sflag:s23] =	ssyncset.done $0x0  }
0x21: {  	[sflag:s23] =	ssyncadd.s32 $0xFFFF8200  }
0x22: {  	_ =	swait.ge [sflag:s25], $0x7E00  }
0x23: {  	[sflag:s25] =	ssyncset.done $0x0  }
0x24: {  	[sflag:s25] =	ssyncadd.s32 $0xFFFF8200  }
0x25: {  	_ =	swait.ge [sflag:s26], $0x7E00  }
0x26: {  	[sflag:s26] =	ssyncset.done $0x0  }
0x27: {  	s0 =	rddreg [dreg:$0x9];
	[sflag:s26] =	ssyncadd.s32 $0xFFFF8200  }
0x28: {  	[spmem:s16], [sflag:s12] =	dma.local [hbm:s0], $0x6600  }
0x29: {  	s5 =	sadd.s32 $0x1, s5;
	_ =	swait.ge [sflag:s22], $0x6600  }
0x2a: {  	s1 =	simm.s32 $0x1C05;
	p1 =	sne.s32 s5, s13;
	[sflag:s22] =	ssyncset.done $0x0  }
.Ltmp2:
0x2b: {  	s31 =	rddreg [dreg:$0xa];
	[sflag:s22] =	ssyncadd.s32 $0xFFFF9A00;
	(pc) =	sbr.rel @!p1 .LBB2_16-.Ltmp2, $4  }
0x2c: {  	[hbm:s31], [sflag:s1] =	dma.local [spmem:s16], $0x6600  }
0x2d: {  	_ =	swait.ge [sflag:s21], $0x6600  }
0x2e: {  	[sflag:s21] =	ssyncset.done $0x0  }
0x2f: {  	[sflag:s21] =	ssyncadd.s32 $0xFFFF9A00  }
.LBB2_2:
0x30: {  	[spmem:s16], [sflag:s12] =	dma.local [hbm:s6], $0x7E00  }
.Ltmp3:
0x31: {  	_ = 	snop;
	(pc) =	sbr.rel .LBB2_3-.Ltmp3, $4  }
0x32: {  	s29 =	simm.s32 $0x0;
	s0 =	rddreg [dreg:$0x7]  }
0x33: {  	[spmem:s18], [sflag:s17] =	dma.local [hbm:s0], $0x7E00  }
0x34: {  	s30 =	smov.u32 s15;
	s31 =	smov.u32 s14;
	s0 =	rddreg [dreg:$0x8]  }
0x35: {  	[spmem:s20], [sflag:s19] =	dma.local [hbm:s0], $0x7E00  }
.LBB2_6:
0x36: {  	p1 =	seq.s32 s29, $0x0  }
0x37: {  	s0 =	simm.s32 @!p1 $0x5  }
0x38: {  	_ =	swait.ge @!p1 [sflag:s0], $0x7E00  }
0x39: {  	[sflag:s0] =	ssyncset.done @!p1 $0x0  }
0x3a: {  	[sflag:s0] =	ssyncadd.s32 @!p1 $0xFFFF8200  }
0x3b: {  	[spmem:s16], [sflag:s12] =	dma.local [hbm:s30], $0x7E00  }
.LBB2_14:
0x3c: {  	s29 =	sadd.s32 $0x1, s29  }
0x3d: {  	p1 =	sne.s32 s29, $0x94  }
.Ltmp4:
0x3e: {  	_ = 	snop;
	(pc) =	sbr.rel @!p1 .LBB2_15-.Ltmp4, $2  }
0x3f: {  	_ =	sdelay $0x2  }
0x40: {  	s31 =	sadd.s32 $0x7E00, s31;
	s30 =	sadd.s32 $0x7E00, s30  }
.LBB2_3:
0x41: {  	s0 =	sand.u32 $0x3, s29  }
0x42: {  	p1 =	sgt.s32 s0, $0x1  }
0x43: {  	p2 =	seq.s32 @p1 s0, $0x2  }
0x44: {  	s3 =	smov.u32 s11;
	p2 =	por !p2, !p1  }
0x45: {  	s8 =	simm.s32 @!p2 $0x3;
	s10 =	simm.s32 @!p2 $0x7;
	s3 =	smov.u32 @p2 s4  }
0x46: {  	s8 =	simm.s32 @p2 $0x4;
	s10 =	simm.s32 @p2 $0x8;
	p2 =	seq.s32 @!p1 s0, $0x0  }
0x47: {  	s0 =	simm.s32 $0x1;
	p2 =	por !p2, p1  }
0x48: {  	s28 =	simm.s32 $0x5;
	s1 =	smov.u32 s7;
	s0 =	simm.s32 @p2 $0x2  }
0x49: {  	s28 =	simm.s32 @p2 $0x6;
	s1 =	smov.u32 @p2 s2;
	s0 =	smov.u32 @p1 s8  }
0x4a: {  	s28 =	smov.u32 @p1 s10;
	s1 =	smov.u32 @p1 s3;
	p1 =	sgt.u32 s29, $0x90  }
.Ltmp5:
0x4b: {  	_ = 	snop;
	(pc) =	sbr.rel @p1 .LBB2_14-.Ltmp5, $4  }
0x4c: {  	_ =	swait.ge [sflag:s0], $0x7E00  }
0x4d: {  	[sflag:s0] =	ssyncset.done $0x0  }
0x4e: {  	s28 =	sadd.s32 $0x1C00, s28;
	s1 =	sshrl.u32 s1, $0x3;
	[sflag:s0] =	ssyncadd.s32 $0xFFFF8200  }
0x4f: {  	[hbm:s31], [sflag:s28] =	dma.local [spmem:s1], $0x7E00  }
0x50: {  	s0 =	sadd.s32 $0x3, s29  }
0x51: {  	s0 =	sand.u32 $0x3, s0  }
0x52: {  	p1 =	sgt.s32 s0, $0x1  }
.Ltmp6:
0x53: {  	_ = 	snop;
	(pc) =	sbr.rel @p1 .LBB2_11-.Ltmp6, $1  }
0x54: {  	_ =	sdelay $0x3  }
0x55: {  	p1 =	seq.s32 s0, $0x0  }
.Ltmp7:
0x56: {  	_ = 	snop;
	(pc) =	sbr.rel @p1 .LBB2_6-.Ltmp7, $1  }
0x57: {  	_ =	sdelay $0x3  }
0x58: {  	p1 =	seq.s32 s29, $0x0  }
.Ltmp8:
0x59: {  	_ = 	snop;
	(pc) =	sbr.rel @p1 .LBB2_9-.Ltmp8, $1  }
0x5a: {  	_ =	sdelay $0x3  }
.Ltmp9:
0x5b: {  	(pc) =	sbr.rel .LBB2_14-.Ltmp9, $4  }
0x5c: {  	_ =	swait.ge [sflag:s23], $0x7E00  }
0x5d: {  	[sflag:s23] =	ssyncset.done $0x0  }
0x5e: {  	[sflag:s23] =	ssyncadd.s32 $0xFFFF8200  }
0x5f: {  	[spmem:s18], [sflag:s17] =	dma.local [hbm:s30], $0x7E00  }
.LBB2_11:
0x60: {  	p2 =	seq.s32 s0, $0x2  }
.Ltmp10:
0x61: {  	_ = 	snop;
	(pc) =	sbr.rel @!p2 .LBB2_12-.Ltmp10, $2  }
0x62: {  	_ =	sdelay $0x2  }
0x63: {  	p1 =	seq.s32 s29, $0x0  }
.Ltmp11:
0x64: {  	s0 =	simm.s32 @!p1 $0x7;
	(pc) =	sbr.rel .LBB2_14-.Ltmp11, $4  }
0x65: {  	_ =	swait.ge @!p1 [sflag:s0], $0x7E00  }
0x66: {  	[sflag:s0] =	ssyncset.done @!p1 $0x0  }
0x67: {  	[sflag:s0] =	ssyncadd.s32 @!p1 $0xFFFF8200  }
0x68: {  	[spmem:s20], [sflag:s19] =	dma.local [hbm:s30], $0x7E00  }
.LBB2_12:
.Ltmp12:
0x69: {  	(pc) =	sbr.rel .LBB2_13-.Ltmp12, $4  }
0x6a: {  	s0 =	simm.s32 @!p1 $0x8  }
0x6b: {  	_ =	swait.ge @!p1 [sflag:s0], $0x7E00  }
0x6c: {  	[sflag:s0] =	ssyncset.done @!p1 $0x0  }
0x6d: {  	[sflag:s0] =	ssyncadd.s32 @!p1 $0xFFFF8200  }
.LBB2_9:
0x6e: {  	[spmem:s18], [sflag:s17] =	dma.local [hbm:s9], $0x7E00  }
.LBB2_13:
.Ltmp13:
0x6f: {  	(pc) =	sbr.rel .LBB2_14-.Ltmp13, $3  }
0x70: {  	_ =	sdelay $0x1  }
0x71: {  	s0 =	sshrl.u32 s4, $0x3  }
0x72: {  	[spmem:s0], [sflag:s24] =	dma.local [hbm:s30], $0x7E00  }
.Lfunc_end2:
_tile_overlayer_lowered:
.L_overlay_start_2:
0x73: {  	(tag) =	ssettag $0x2  }
0x74: {  	s0 =	rddreg [dreg:$0x0];
	s2 =	stileid.u32  }
0x75: {  	s1 =	rddreg [dreg:$0x1];
	p0 =	sne.s32 s2, $0x0  }
0x76: {  	s3 =	rddreg [dreg:$0x2];
	[bflag:$0x3] =	sbarrier.arrive $0xFFFF;
	s2 =	simm.s32 @!p0 $0x1C09  }
0x77: {  	[timem:s3], [sflag:s2] =	dma.local @!p0 [hbm:s0], s1  }
0x78: {  	s0 =	simm.s32 @!p0 $0x9  }
0x79: {  	_ =	swait.ge @!p0 [sflag:s0], s1  }
0x7a: {  	s1 =	ssub.s32 @!p0 $0x0, s1;
	[sflag:s0] =	ssyncset.done @!p0 $0x0  }
0x7b: {  	[sflag:s0] =	ssyncadd.s32 @!p0 s1  }
0x7c: {  	[bflag:$0x3] =	sbarrier.arrive $0xFFFF  }
0x7d: {  	_ =	shalt  }

</sc_bundles>
